<compile_context>
chip_gen: v7x
topology: tpu7x:2x2x1
jax: 0.10.2.dev20260603
libtpu: 0.0.44.dev20260713+nightly
codegen_flags: <defaults>
</compile_context>

<pallas_src>
import functools

import jax
import jax.numpy as jnp
from jax import lax
from jax.experimental import pallas as pl
from jax.experimental.pallas import tpu as pltpu
from jax.experimental.pallas import tpu_sc as plsc

_BETA = 0.05
_ALPHA = 0.01

_N = 16384
_D = 4096
_H = 2048
_B = 64
_BLK = 512
_NBLK = _N // _BLK

_NC = 1
_NS = 16
_NW = _NC * _NS
_RPW = _B // _NW
_IPAD = 8


def _sc_gather_body(mem_hbm, idxp_hbm, out_hbm, idx_v, g_v, sem):
    wid = lax.axis_index("s") * _NC + lax.axis_index("c")
    pltpu.sync_copy(idxp_hbm.at[wid].at[pl.ds(0, _RPW)], idx_v)
    pltpu.async_copy(mem_hbm.at[idx_v], g_v, sem).wait()
    pltpu.sync_copy(g_v, out_hbm.at[wid])


@functools.cache
def _get_sc_gather():
    return pl.kernel(
        _sc_gather_body,
        out_type=jax.ShapeDtypeStruct((_NW, _RPW, _D), jnp.float32),
        mesh=plsc.VectorSubcoreMesh(core_axis_name="c", subcore_axis_name="s",
                                    num_cores=_NC, num_subcores=_NS),
        scratch_types=[
            pltpu.VMEM((_RPW,), jnp.int32),
            pltpu.VMEM((_RPW, _D), jnp.float32),
            pltpu.SemaphoreType.DMA,
        ],
        compiler_params=pltpu.CompilerParams(needs_layout_passes=False),
    )


_T = 4
_G = _NBLK // _T


def _tc_body(fT_ref, idxr_ref, idxc_ref, mem_hbm, out_hbm, loss_ref,
             slast_ref, bufs, isems, osems, acc0, acc1, t0a, t1a):
    g = pl.program_id(0)

    def in_dma(b, t):
        return pltpu.make_async_copy(
            mem_hbm.at[pl.ds(b * _BLK, _BLK)], bufs[t], isems[t])

    def out_dma(b, t):
        return pltpu.make_async_copy(
            bufs[t], out_hbm.at[pl.ds(b * _BLK, _BLK)], osems[t])

    @pl.when(g == 0)
    def _init():
        acc0[...] = jnp.zeros_like(acc0)
        acc1[...] = jnp.zeros_like(acc1)
        t0a[...] = jnp.zeros_like(t0a)
        t1a[...] = jnp.zeros_like(t1a)
        in_dma(0, 0).start()
        in_dma(1, 1).start()
        eq = jnp.broadcast_to(idxr_ref[...], (_B, _B)) == \
            jnp.broadcast_to(idxc_ref[...], (_B, _B))
        later = (lax.broadcasted_iota(jnp.int32, (_B, _B), 0) >
                 lax.broadcasted_iota(jnp.int32, (_B, _B), 1))
        dup = jnp.sum(jnp.where(eq & later, 1.0, 0.0), axis=0, keepdims=True)
        slast_ref[...] = jnp.where(dup == 0.0, jnp.int32(1), jnp.int32(0))

    fT = fT_ref[...]
    dn = (((1,), (0,)), ((), ()))

    for t in range(_T):
        b = g * _T + t
        in_dma(b, t).wait()
        m = bufs[t][...]
        mb = m.astype(jnp.bfloat16)
        l0 = lax.dot_general(mb[:, :_H], fT[:_H, :], dn,
                             preferred_element_type=jnp.float32) * (1.0 / _BETA)
        l1 = lax.dot_general(mb[:, _H:], fT[_H:, :], dn,
                             preferred_element_type=jnp.float32) * (1.0 / _BETA)
        acc0[...] += jnp.sum(jnp.exp(l0), axis=0, keepdims=True)
        acc1[...] += jnp.sum(jnp.exp(l1), axis=0, keepdims=True)
        rows = lax.broadcasted_iota(jnp.int32, (_BLK, _B), 0) + b * _BLK
        msk = rows == idxr_ref[...]
        t0a[...] += jnp.sum(jnp.where(msk, l0, 0.0), axis=0, keepdims=True)
        t1a[...] += jnp.sum(jnp.where(msk, l1, 0.0), axis=0, keepdims=True)

        out_dma(b, t).start()

        t2 = (t + 2) % _T
        p = b + 2

        @pl.when(p < _NBLK)
        def _prefetch(_t2=t2, _p=p):
            @pl.when(_p >= _T)
            def _():
                out_dma(_p - _T, _t2).wait()

            in_dma(_p, _t2).start()

    @pl.when(g == _G - 1)
    def _fin():
        for t in range(_T):
            out_dma(_NBLK - _T + t, t).wait()
        nll = (jnp.log(acc0[...]) - t0a[...]) + (jnp.log(acc1[...]) - t1a[...])
        loss_ref[...] = (0.6 * jnp.sum(nll) * (1.0 / _B)).reshape(1, 1)


_tc_call = pl.pallas_call(
    _tc_body,
    grid=(_G,),
    in_specs=[
        pl.BlockSpec((_D, _B), lambda g: (0, 0)),
        pl.BlockSpec((1, _B), lambda g: (0, 0)),
        pl.BlockSpec((_B, 1), lambda g: (0, 0)),
        pl.BlockSpec(memory_space=pl.ANY),
    ],
    out_specs=[
        pl.BlockSpec(memory_space=pl.ANY),
        pl.BlockSpec((1, 1), lambda g: (0, 0)),
        pl.BlockSpec((1, _B), lambda g: (0, 0)),
    ],
    out_shape=[
        jax.ShapeDtypeStruct((_N, _D), jnp.float32),
        jax.ShapeDtypeStruct((1, 1), jnp.float32),
        jax.ShapeDtypeStruct((1, _B), jnp.int32),
    ],
    scratch_shapes=[
        [pltpu.VMEM((_BLK, _D), jnp.float32) for _ in range(_T)],
        [pltpu.SemaphoreType.DMA for _ in range(_T)],
        [pltpu.SemaphoreType.DMA for _ in range(_T)],
        pltpu.VMEM((1, _B), jnp.float32),
        pltpu.VMEM((1, _B), jnp.float32),
        pltpu.VMEM((1, _B), jnp.float32),
        pltpu.VMEM((1, _B), jnp.float32),
    ],
    compiler_params=pltpu.CompilerParams(
        dimension_semantics=("arbitrary",),
        vmem_limit_bytes=100 * 1024 * 1024),
)


def _fixup_body(idx_smem, slast_smem, g_ref, f_ref, base_hbm, out_hbm,
                nbuf, sem):
    g = g_ref[...]
    f = f_ref[...]
    n = _ALPHA * g + (1.0 - _ALPHA) * f
    n0 = n[:, :_H]
    n1 = n[:, _H:]
    r0 = jnp.sqrt(jnp.sum(n0 * n0, axis=1, keepdims=True)) + 1e-12
    r1 = jnp.sqrt(jnp.sum(n1 * n1, axis=1, keepdims=True)) + 1e-12
    nbuf[:, :_H] = n0 / r0
    nbuf[:, _H:] = n1 / r1

    def start(i, carry):
        @pl.when(slast_smem[0, i] > 0)
        def _():
            j = idx_smem[i]
            pltpu.make_async_copy(
                nbuf.at[pl.ds(i, 1)], out_hbm.at[pl.ds(j, 1)], sem).start()

        return carry

    lax.fori_loop(0, _B, start, 0)

    def drain(i, carry):
        @pl.when(slast_smem[0, i] > 0)
        def _():
            pltpu.make_async_copy(
                nbuf.at[pl.ds(0, 1)], out_hbm.at[pl.ds(0, 1)], sem).wait()

        return carry

    lax.fori_loop(0, _B, drain, 0)


_fixup_call = pl.pallas_call(
    _fixup_body,
    in_specs=[
        pl.BlockSpec(memory_space=pltpu.SMEM),
        pl.BlockSpec(memory_space=pltpu.SMEM),
        pl.BlockSpec((_B, _D), lambda: (0, 0)),
        pl.BlockSpec((_B, _D), lambda: (0, 0)),
        pl.BlockSpec(memory_space=pl.ANY),
    ],
    out_specs=pl.BlockSpec(memory_space=pl.ANY),
    out_shape=jax.ShapeDtypeStruct((_N, _D), jnp.float32),
    scratch_shapes=[pltpu.VMEM((_B, _D), jnp.float32),
                    pltpu.SemaphoreType.DMA],
    input_output_aliases={4: 0},
    compiler_params=pltpu.CompilerParams(has_side_effects=True),
)


def kernel(features, mem, idx):
    fT = features.T.astype(jnp.bfloat16)
    idxr = idx.reshape(1, _B)
    idx2 = idx.reshape(_NW, _RPW)
    idxp = jnp.concatenate(
        [idx2, jnp.broadcast_to(idx2[:, :1], (_NW, _IPAD - _RPW))], axis=1)
    gath = _get_sc_gather()(mem, idxp).reshape(_B, _D)
    idxc = idx.reshape(_B, 1)
    base, loss, slast = _tc_call(fT, idxr, idxc, mem)
    new_mem = _fixup_call(idx, slast, gath, features, base)
    return loss[0, 0], new_mem

# --- scband reference (transcript-rebuilt; emitter-appended) ---
"""Pipeline reference for scband-capmemory-part-44607530336552 (READ-ONLY COPY).

The authoritative reference and input builder live on the scoring server;
editing this copy changes nothing except your own understanding.
"""

import jax, jax.numpy as jnp
import numpy as np

BETA = 0.05
ALPHA = 0.01

def setup_inputs(seed: int = 0):
    key = jax.random.key(seed)
    k1, k2, k3 = jax.random.split(key, 3)
    features = jax.random.normal(k1, (64, 4096), dtype=jnp.float32)
    features = features / (jnp.linalg.norm(features, axis=1, keepdims=True) + 1e-12)
    mem = jax.random.normal(k2, (16384, 4096), dtype=jnp.float32)
    mem = mem / (jnp.linalg.norm(mem, axis=1, keepdims=True) + 1e-12)
    idx = jax.random.randint(k3, (64,), 0, 16384, dtype=jnp.int32)
    return {"features": features, "mem": mem, "idx": idx}

def _cross_entropy(logits, targets):
    logp = jax.nn.log_softmax(logits, axis=1)
    nll = -jnp.take_along_axis(logp, targets[:, None], axis=1)[:, 0]
    return jnp.mean(nll)

def reference(features, mem, idx):
    # Core per-camera proxy memory computation of CAPMemory_part:
    # ExemplarMemory.apply on the two 2048-d halves, /= beta, then
    # 0.6 * F.cross_entropy on each half, plus the ExemplarMemory
    # momentum scatter-update of the memory bank (side effect in torch).
    f0 = features[:, :2048]
    f1 = features[:, 2048:4096]
    m0 = mem[:, :2048]
    m1 = mem[:, 2048:4096]
    # ExemplarMemory.forward: inputs.mm(memory.t())
    out0 = (f0 @ m0.T) / BETA
    out1 = (f1 @ m1.T) / BETA
    loss = 0.6 * _cross_entropy(out0, idx) + 0.6 * _cross_entropy(out1, idx)
    # Memory bank momentum update: mem[y] = a*mem[y] + (1-a)*x; mem[y] /= ||mem[y]||
    g0 = jnp.take(m0, idx, axis=0)
    g1 = jnp.take(m1, idx, axis=0)
    n0 = ALPHA * g0 + (1.0 - ALPHA) * f0
    n0 = n0 / (jnp.linalg.norm(n0, axis=1, keepdims=True) + 1e-12)
    n1 = ALPHA * g1 + (1.0 - ALPHA) * f1
    n1 = n1 / (jnp.linalg.norm(n1, axis=1, keepdims=True) + 1e-12)
    new_mem = mem.at[idx, :2048].set(n0)
    new_mem = new_mem.at[idx, 2048:4096].set(n1)
    return loss, new_mem

if __name__ == "__main__":
    import jax
    _d = setup_inputs()
    print(jax.jit(kernel)(*tuple(_d.values())))

</pallas_src>

<mosaic_0001>
#map = affine_map<(d0, d1) -> (0, 0)>
#map1 = affine_map<(d0, d1) -> (0, 0, 0)>
module attributes {stable_mosaic.version = 14 : i64} {
  func.func @_sc_gather_body(%arg0: i32, %arg1: i32, %arg2: memref<16384x4096xf32, #tpu.memory_space<hbm>>, %arg3: memref<16x8xi32, #tpu.memory_space<hbm>>, %arg4: memref<16x4x4096xf32, #tpu.memory_space<hbm>>, %arg5: memref<4xi32, #tpu.memory_space<vmem>>, %arg6: memref<4x4096xf32, #tpu.memory_space<vmem>>, %arg7: memref<!tpu.dma_semaphore, #tpu.memory_space<semaphore_mem>>) attributes {dimension_semantics = [#tpu.dimension_semantics<core_parallel>, #tpu.dimension_semantics<subcore_parallel>], iteration_bounds = array<i64: 1, 16>, scalar_prefetch = 0 : i64, scratch_operands = 3 : i64, tpu.core_type = #tpu.core_type<sc_vector_subcore>, window_params = [{transform_indices = #map}, {transform_indices = #map}, {transform_indices = #map1}]} {
    %mul3A = arith.constant 1 : i32
    %mul3A_0 = arith.muli %arg1, %mul3A : i32
    %add3A = arith.addi %mul3A_0, %arg0 : i32
    "tpu.region"() ({
      %run_scoped3A = tpu.sem_alloc : memref<!tpu.dma_semaphore, #tpu.memory_space<semaphore_mem>>
      %dma_start3A_5 = arith.constant 0 : i32
      %dma_start3A_6 = tpu.memref_slice %arg3[%add3A, %dma_start3A_5] : memref<16x8xi32, #tpu.memory_space<hbm>> -> memref<1x8xi32, #tpu.memory_space<hbm>>
      %dma_start3A_7 = tpu.memref_squeeze %dma_start3A_6 : memref<1x8xi32, #tpu.memory_space<hbm>> -> memref<8xi32, #tpu.memory_space<hbm>>
      %dma_start3A_8 = arith.constant 0 : i32
      %dma_start3A_9 = tpu.memref_slice %dma_start3A_7[%dma_start3A_8] : memref<8xi32, #tpu.memory_space<hbm>> -> memref<4xi32, #tpu.memory_space<hbm>>
      %dma_start3A_10 = arith.constant 0 : i32
      %dma_start3A_11 = tpu.memref_slice %arg3[%add3A, %dma_start3A_10] : memref<16x8xi32, #tpu.memory_space<hbm>> -> memref<1x8xi32, #tpu.memory_space<hbm>>
      %dma_start3A_12 = tpu.memref_squeeze %dma_start3A_11 : memref<1x8xi32, #tpu.memory_space<hbm>> -> memref<8xi32, #tpu.memory_space<hbm>>
      %dma_start3A_13 = arith.constant 0 : i32
      %dma_start3A_14 = tpu.memref_slice %dma_start3A_12[%dma_start3A_13] : memref<8xi32, #tpu.memory_space<hbm>> -> memref<4xi32, #tpu.memory_space<hbm>>
      tpu.enqueue_dma source(%dma_start3A_14 : memref<4xi32, #tpu.memory_space<hbm>>) target(%arg5 : memref<4xi32, #tpu.memory_space<vmem>>) target_semaphore(%run_scoped3A : memref<!tpu.dma_semaphore, #tpu.memory_space<semaphore_mem>>)
      %dma_wait3A_15 = arith.constant 0 : i32
      %dma_wait3A_16 = tpu.memref_slice %arg3[%add3A, %dma_wait3A_15] : memref<16x8xi32, #tpu.memory_space<hbm>> -> memref<1x8xi32, #tpu.memory_space<hbm>>
      %dma_wait3A_17 = tpu.memref_squeeze %dma_wait3A_16 : memref<1x8xi32, #tpu.memory_space<hbm>> -> memref<8xi32, #tpu.memory_space<hbm>>
      %dma_wait3A_18 = arith.constant 0 : i32
      %dma_wait3A_19 = tpu.memref_slice %dma_wait3A_17[%dma_wait3A_18] : memref<8xi32, #tpu.memory_space<hbm>> -> memref<4xi32, #tpu.memory_space<hbm>>
      %dma_wait3A_20 = arith.constant 0 : i32
      %dma_wait3A_21 = tpu.memref_slice %arg3[%add3A, %dma_wait3A_20] : memref<16x8xi32, #tpu.memory_space<hbm>> -> memref<1x8xi32, #tpu.memory_space<hbm>>
      %dma_wait3A_22 = tpu.memref_squeeze %dma_wait3A_21 : memref<1x8xi32, #tpu.memory_space<hbm>> -> memref<8xi32, #tpu.memory_space<hbm>>
      %dma_wait3A_23 = arith.constant 0 : i32
      %dma_wait3A_24 = tpu.memref_slice %dma_wait3A_22[%dma_wait3A_23] : memref<8xi32, #tpu.memory_space<hbm>> -> memref<4xi32, #tpu.memory_space<hbm>>
      tpu.wait_dma2 semaphore(%run_scoped3A : memref<!tpu.dma_semaphore, #tpu.memory_space<semaphore_mem>>) src(%dma_wait3A_24 : memref<4xi32, #tpu.memory_space<hbm>>) dst(%arg5 : memref<4xi32, #tpu.memory_space<vmem>>)
      tpu.yield
    }) : () -> ()
    %dma_start3A = arith.constant 0 : i32
    %dma_start3A_1 = arith.constant 0 : i32
    %dma_start3A_2 = tpu.memref_slice %arg2[%dma_start3A, %dma_start3A_1] : memref<16384x4096xf32, #tpu.memory_space<hbm>> -> memref<16384x4096xf32, #tpu.memory_space<hbm>>
    tpu.enqueue_indirect_dma source(%dma_start3A_2 : memref<16384x4096xf32, #tpu.memory_space<hbm>>) target(%arg6 : memref<4x4096xf32, #tpu.memory_space<vmem>>) offsets(%arg5 : memref<4xi32, #tpu.memory_space<vmem>>) semaphore(%arg7 : memref<!tpu.dma_semaphore, #tpu.memory_space<semaphore_mem>>)
    %dma_wait3A = arith.constant 0 : i32
    %dma_wait3A_3 = arith.constant 0 : i32
    %dma_wait3A_4 = tpu.memref_slice %arg2[%dma_wait3A, %dma_wait3A_3] : memref<16384x4096xf32, #tpu.memory_space<hbm>> -> memref<16384x4096xf32, #tpu.memory_space<hbm>>
    tpu.wait_indirect_dma semaphore(%arg7 : memref<!tpu.dma_semaphore, #tpu.memory_space<semaphore_mem>>) src(%dma_wait3A_4 : memref<16384x4096xf32, #tpu.memory_space<hbm>>) dst(%arg6 : memref<4x4096xf32, #tpu.memory_space<vmem>>)
    "tpu.region"() ({
      %run_scoped3A = tpu.sem_alloc : memref<!tpu.dma_semaphore, #tpu.memory_space<semaphore_mem>>
      %dma_start3A_5 = arith.constant 0 : i32
      %dma_start3A_6 = arith.constant 0 : i32
      %dma_start3A_7 = tpu.memref_slice %arg4[%add3A, %dma_start3A_5, %dma_start3A_6] : memref<16x4x4096xf32, #tpu.memory_space<hbm>> -> memref<1x4x4096xf32, #tpu.memory_space<hbm>>
      %dma_start3A_8 = tpu.memref_squeeze %dma_start3A_7 : memref<1x4x4096xf32, #tpu.memory_space<hbm>> -> memref<4x4096xf32, #tpu.memory_space<hbm>>
      %dma_start3A_9 = arith.constant 0 : i32
      %dma_start3A_10 = arith.constant 0 : i32
      %dma_start3A_11 = tpu.memref_slice %arg4[%add3A, %dma_start3A_9, %dma_start3A_10] : memref<16x4x4096xf32, #tpu.memory_space<hbm>> -> memref<1x4x4096xf32, #tpu.memory_space<hbm>>
      %dma_start3A_12 = tpu.memref_squeeze %dma_start3A_11 : memref<1x4x4096xf32, #tpu.memory_space<hbm>> -> memref<4x4096xf32, #tpu.memory_space<hbm>>
      tpu.enqueue_dma source(%arg6 : memref<4x4096xf32, #tpu.memory_space<vmem>>) target(%dma_start3A_12 : memref<4x4096xf32, #tpu.memory_space<hbm>>) target_semaphore(%run_scoped3A : memref<!tpu.dma_semaphore, #tpu.memory_space<semaphore_mem>>)
      %dma_wait3A_13 = arith.constant 0 : i32
      %dma_wait3A_14 = arith.constant 0 : i32
      %dma_wait3A_15 = tpu.memref_slice %arg4[%add3A, %dma_wait3A_13, %dma_wait3A_14] : memref<16x4x4096xf32, #tpu.memory_space<hbm>> -> memref<1x4x4096xf32, #tpu.memory_space<hbm>>
      %dma_wait3A_16 = tpu.memref_squeeze %dma_wait3A_15 : memref<1x4x4096xf32, #tpu.memory_space<hbm>> -> memref<4x4096xf32, #tpu.memory_space<hbm>>
      %dma_wait3A_17 = arith.constant 0 : i32
      %dma_wait3A_18 = arith.constant 0 : i32
      %dma_wait3A_19 = tpu.memref_slice %arg4[%add3A, %dma_wait3A_17, %dma_wait3A_18] : memref<16x4x4096xf32, #tpu.memory_space<hbm>> -> memref<1x4x4096xf32, #tpu.memory_space<hbm>>
      %dma_wait3A_20 = tpu.memref_squeeze %dma_wait3A_19 : memref<1x4x4096xf32, #tpu.memory_space<hbm>> -> memref<4x4096xf32, #tpu.memory_space<hbm>>
      tpu.wait_dma2 semaphore(%run_scoped3A : memref<!tpu.dma_semaphore, #tpu.memory_space<semaphore_mem>>) src(%arg6 : memref<4x4096xf32, #tpu.memory_space<vmem>>) dst(%dma_wait3A_20 : memref<4x4096xf32, #tpu.memory_space<hbm>>)
      tpu.yield
    }) : () -> ()
    return
  }
}

module attributes {stable_mosaic.version = 14 : i64} {
  func.func @_tc_body(%arg0: i32, %arg1: memref<4096x64xbf16, #tpu.memory_space<vmem>>, %arg2: memref<1x64xi32, #tpu.memory_space<vmem>>, %arg3: memref<64x1xi32, #tpu.memory_space<vmem>>, %arg4: memref<16384x4096xf32, #tpu.memory_space<any>>, %arg5: memref<16384x4096xf32, #tpu.memory_space<any>>, %arg6: memref<1x1xf32, #tpu.memory_space<vmem>>, %arg7: memref<1x64xi32, #tpu.memory_space<vmem>>, %arg8: memref<512x4096xf32, #tpu.memory_space<vmem>>, %arg9: memref<512x4096xf32, #tpu.memory_space<vmem>>, %arg10: memref<512x4096xf32, #tpu.memory_space<vmem>>, %arg11: memref<512x4096xf32, #tpu.memory_space<vmem>>, %arg12: memref<!tpu.dma_semaphore, #tpu.memory_space<semaphore_mem>>, %arg13: memref<!tpu.dma_semaphore, #tpu.memory_space<semaphore_mem>>, %arg14: memref<!tpu.dma_semaphore, #tpu.memory_space<semaphore_mem>>, %arg15: memref<!tpu.dma_semaphore, #tpu.memory_space<semaphore_mem>>, %arg16: memref<!tpu.dma_semaphore, #tpu.memory_space<semaphore_mem>>, %arg17: memref<!tpu.dma_semaphore, #tpu.memory_space<semaphore_mem>>, %arg18: memref<!tpu.dma_semaphore, #tpu.memory_space<semaphore_mem>>, %arg19: memref<!tpu.dma_semaphore, #tpu.memory_space<semaphore_mem>>, %arg20: memref<1x64xf32, #tpu.memory_space<vmem>>, %arg21: memref<1x64xf32, #tpu.memory_space<vmem>>, %arg22: memref<1x64xf32, #tpu.memory_space<vmem>>, %arg23: memref<1x64xf32, #tpu.memory_space<vmem>>) attributes {dimension_semantics = [#tpu.dimension_semantics<arbitrary>], iteration_bounds = array<i64: 8>, scalar_prefetch = 0 : i64, scratch_operands = 16 : i64, tpu.core_type = #tpu.core_type<tc>, window_params = [{pipeline_mode = #tpu.pipeline_mode<synchronous>, transform_indices = @transform_0, window_bounds = array<i64: 4096, 64>}, {pipeline_mode = #tpu.pipeline_mode<synchronous>, transform_indices = @transform_1, window_bounds = array<i64: 1, 64>}, {pipeline_mode = #tpu.pipeline_mode<synchronous>, transform_indices = @transform_2, window_bounds = array<i64: 64, 1>}, {}, {}, {pipeline_mode = #tpu.pipeline_mode<synchronous>, transform_indices = @transform_5, window_bounds = array<i64: 1, 1>}, {pipeline_mode = #tpu.pipeline_mode<synchronous>, transform_indices = @transform_6, window_bounds = array<i64: 1, 64>}]} {
    %eq3A = arith.constant 0 : i32
    %eq3A_0 = arith.cmpi eq, %arg0, %eq3A : i32
    %convert_element_type3A = arith.extui %eq3A_0 : i1 to i32
    %cond3A = arith.constant 0 : i32
    %cond3A_1 = arith.cmpi ne, %convert_element_type3A, %cond3A : i32
    scf.if %cond3A_1 {
      %broadcast_in_dim3A_375 = arith.constant 0.000000e+00 : f32
      %broadcast_in_dim3A_376 = vector.broadcast %broadcast_in_dim3A_375 : f32 to vector<1x64xf32>
      %swap3A_377 = arith.constant 0 : index
      %swap3A_378 = arith.constant 0 : index
      %swap3A_379 = vector.load %arg20[%swap3A_377, %swap3A_378] : memref<1x64xf32, #tpu.memory_space<vmem>>, vector<1x64xf32>
      tpu.vector_store %arg20[%swap3A_377, %swap3A_378], %broadcast_in_dim3A_376 {strides = array<i32>} : memref<1x64xf32, #tpu.memory_space<vmem>>, vector<1x64xf32>,
      %broadcast_in_dim3A_380 = arith.constant 0.000000e+00 : f32
      %broadcast_in_dim3A_381 = vector.broadcast %broadcast_in_dim3A_380 : f32 to vector<1x64xf32>
      %swap3A_382 = arith.constant 0 : index
      %swap3A_383 = arith.constant 0 : index
      %swap3A_384 = vector.load %arg21[%swap3A_382, %swap3A_383] : memref<1x64xf32, #tpu.memory_space<vmem>>, vector<1x64xf32>
      tpu.vector_store %arg21[%swap3A_382, %swap3A_383], %broadcast_in_dim3A_381 {strides = array<i32>} : memref<1x64xf32, #tpu.memory_space<vmem>>, vector<1x64xf32>,
      %broadcast_in_dim3A_385 = arith.constant 0.000000e+00 : f32
      %broadcast_in_dim3A_386 = vector.broadcast %broadcast_in_dim3A_385 : f32 to vector<1x64xf32>
      %swap3A_387 = arith.constant 0 : index
      %swap3A_388 = arith.constant 0 : index
      %swap3A_389 = vector.load %arg22[%swap3A_387, %swap3A_388] : memref<1x64xf32, #tpu.memory_space<vmem>>, vector<1x64xf32>
      tpu.vector_store %arg22[%swap3A_387, %swap3A_388], %broadcast_in_dim3A_386 {strides = array<i32>} : memref<1x64xf32, #tpu.memory_space<vmem>>, vector<1x64xf32>,
      %broadcast_in_dim3A_390 = arith.constant 0.000000e+00 : f32
      %broadcast_in_dim3A_391 = vector.broadcast %broadcast_in_dim3A_390 : f32 to vector<1x64xf32>
      %swap3A_392 = arith.constant 0 : index
      %swap3A_393 = arith.constant 0 : index
      %swap3A_394 = vector.load %arg23[%swap3A_392, %swap3A_393] : memref<1x64xf32, #tpu.memory_space<vmem>>, vector<1x64xf32>
      tpu.vector_store %arg23[%swap3A_392, %swap3A_393], %broadcast_in_dim3A_391 {strides = array<i32>} : memref<1x64xf32, #tpu.memory_space<vmem>>, vector<1x64xf32>,
      %dma_start3A_395 = arith.constant 0 : i32
      %dma_start3A_396 = arith.constant 0 : i32
      %dma_start3A_397 = tpu.memref_slice %arg4[%dma_start3A_395, %dma_start3A_396] : memref<16384x4096xf32, #tpu.memory_space<any>> -> memref<512x4096xf32, #tpu.memory_space<any>>
      tpu.enqueue_dma source(%dma_start3A_397 : memref<512x4096xf32, #tpu.memory_space<any>>) target(%arg8 : memref<512x4096xf32, #tpu.memory_space<vmem>>) target_semaphore(%arg12 : memref<!tpu.dma_semaphore, #tpu.memory_space<semaphore_mem>>)
      %dma_start3A_398 = arith.constant 512 : i32
      %dma_start3A_399 = arith.constant 0 : i32
      %dma_start3A_400 = tpu.memref_slice %arg4[%dma_start3A_398, %dma_start3A_399] : memref<16384x4096xf32, #tpu.memory_space<any>> -> memref<512x4096xf32, #tpu.memory_space<any>>
      tpu.enqueue_dma source(%dma_start3A_400 : memref<512x4096xf32, #tpu.memory_space<any>>) target(%arg9 : memref<512x4096xf32, #tpu.memory_space<vmem>>) target_semaphore(%arg13 : memref<!tpu.dma_semaphore, #tpu.memory_space<semaphore_mem>>)
      %get3A_401 = arith.constant 0 : index
      %get3A_402 = arith.constant 0 : index
      %get3A_403 = vector.load %arg2[%get3A_401, %get3A_402] : memref<1x64xi32, #tpu.memory_space<vmem>>, vector<1x64xi32>
      %broadcast_in_dim3A_404 = vector.shape_cast %get3A_403 : vector<1x64xi32> to vector<1x64xi32>
      %broadcast_in_dim3A_405 = vector.broadcast %broadcast_in_dim3A_404 : vector<1x64xi32> to vector<64x64xi32>
      %get3A_406 = arith.constant 0 : index
      %get3A_407 = arith.constant 0 : index
      %get3A_408 = vector.load %arg3[%get3A_406, %get3A_407] : memref<64x1xi32, #tpu.memory_space<vmem>>, vector<64x1xi32>
      %broadcast_in_dim3A_409 = vector.shape_cast %get3A_408 : vector<64x1xi32> to vector<64x1xi32>
      %broadcast_in_dim3A_410 = vector.broadcast %broadcast_in_dim3A_409 : vector<64x1xi32> to vector<64x64xi32>
      %eq3A_411 = arith.cmpi eq, %broadcast_in_dim3A_405, %broadcast_in_dim3A_410 : vector<64x64xi32>
      %iota3A_412 = tpu.iota {dimensions = array<i32: 0>} : vector<64x64xi32>
      %iota3A_413 = tpu.iota {dimensions = array<i32: 1>} : vector<64x64xi32>
      %gt3A = arith.cmpi sgt, %iota3A_412, %iota3A_413 : vector<64x64xi32>
      %and3A = arith.andi %eq3A_411, %gt3A : vector<64x64xi1>
      %jit3A_414 = arith.constant 1.000000e+00 : f32
      %jit3A_415 = arith.constant 0.000000e+00 : f32
      %broadcast_in_dim3A_416 = vector.broadcast %jit3A_414 : f32 to vector<64x64xf32>
      %broadcast_in_dim3A_417 = vector.broadcast %jit3A_415 : f32 to vector<64x64xf32>
      %select_n3A_418 = arith.select %and3A, %broadcast_in_dim3A_416, %broadcast_in_dim3A_417 : vector<64x64xi1>, vector<64x64xf32>
      %reduce_sum3A_419 = arith.constant dense<0.000000e+00> : vector<64xf32>
      %reduce_sum3A_420 = vector.multi_reduction <add>, %select_n3A_418, %reduce_sum3A_419 [0] : vector<64x64xf32> to vector<64xf32>
      %broadcast_in_dim3A_421 = vector.shape_cast %reduce_sum3A_420 : vector<64xf32> to vector<1x64xf32>
      %eq3A_422 = arith.constant 0.000000e+00 : f32
      %eq3A_423 = vector.broadcast %eq3A_422 : f32 to vector<1x64xf32>
      %eq3A_424 = arith.cmpf oeq, %broadcast_in_dim3A_421, %eq3A_423 : vector<1x64xf32>
      %jit3A_425 = arith.constant 1 : i32
      %jit3A_426 = arith.constant 0 : i32
      %broadcast_in_dim3A_427 = vector.broadcast %jit3A_425 : i32 to vector<1x64xi32>
      %broadcast_in_dim3A_428 = vector.broadcast %jit3A_426 : i32 to vector<1x64xi32>
      %select_n3A_429 = arith.select %eq3A_424, %broadcast_in_dim3A_427, %broadcast_in_dim3A_428 : vector<1x64xi1>, vector<1x64xi32>
      %swap3A_430 = arith.constant 0 : index
      %swap3A_431 = arith.constant 0 : index
      %swap3A_432 = vector.load %arg7[%swap3A_430, %swap3A_431] : memref<1x64xi32, #tpu.memory_space<vmem>>, vector<1x64xi32>
      tpu.vector_store %arg7[%swap3A_430, %swap3A_431], %select_n3A_429 {strides = array<i32>} : memref<1x64xi32, #tpu.memory_space<vmem>>, vector<1x64xi32>,
    } else {
    }
    %get3A = arith.constant 0 : index
    %get3A_2 = arith.constant 0 : index
    %get3A_3 = vector.load %arg1[%get3A, %get3A_2] : memref<4096x64xbf16, #tpu.memory_space<vmem>>, vector<4096x64xbf16>
    %mul3A = arith.constant 4 : i32
    %mul3A_4 = arith.muli %arg0, %mul3A : i32
    %add3A = arith.constant 0 : i32
    %add3A_5 = arith.addi %mul3A_4, %add3A : i32
    %mul3A_6 = arith.constant 512 : i32
    %mul3A_7 = arith.muli %add3A_5, %mul3A_6 : i32
    %dma_wait3A = arith.constant 0 : i32
    %dma_wait3A_8 = tpu.memref_slice %arg4[%mul3A_7, %dma_wait3A] : memref<16384x4096xf32, #tpu.memory_space<any>> -> memref<512x4096xf32, #tpu.memory_space<any>>
    tpu.wait_dma2 semaphore(%arg12 : memref<!tpu.dma_semaphore, #tpu.memory_space<semaphore_mem>>) src(%dma_wait3A_8 : memref<512x4096xf32, #tpu.memory_space<any>>) dst(%arg8 : memref<512x4096xf32, #tpu.memory_space<vmem>>)
    %get3A_9 = arith.constant 0 : index
    %get3A_10 = arith.constant 0 : index
    %get3A_11 = vector.load %arg8[%get3A_9, %get3A_10] : memref<512x4096xf32, #tpu.memory_space<vmem>>, vector<512x4096xf32>
    %convert_element_type3A_12 = arith.truncf %get3A_11 : vector<512x4096xf32> to vector<512x4096xbf16>
    %slice3A = vector.extract_strided_slice %convert_element_type3A_12 {offsets = [0, 0], sizes = [512, 2048], strides = [1, 1]} : vector<512x4096xbf16> to vector<512x2048xbf16>
    %slice3A_13 = vector.extract_strided_slice %get3A_3 {offsets = [0, 0], sizes = [2048, 64], strides = [1, 1]} : vector<4096x64xbf16> to vector<2048x64xbf16>
    %dot_general3A = arith.constant dense<0.000000e+00> : vector<512x64xf32>
    %dot_general3A_14 = tpu.matmul %slice3A, %slice3A_13, %dot_general3A {dimension_numbers = #tpu.dot_dimension_numbers<[1], [0], [0], [1], [0, 0, 1, 1], [], []>, transpose_lhs_hint = false} : vector<512x2048xbf16>, vector<2048x64xbf16>, vector<512x64xf32> -> vector<512x64xf32>
    %mul3A_15 = arith.constant 2.000000e+01 : f32
    %mul3A_16 = vector.broadcast %mul3A_15 : f32 to vector<512x64xf32>
    %mul3A_17 = arith.mulf %dot_general3A_14, %mul3A_16 : vector<512x64xf32>
    %slice3A_18 = vector.extract_strided_slice %convert_element_type3A_12 {offsets = [0, 2048], sizes = [512, 2048], strides = [1, 1]} : vector<512x4096xbf16> to vector<512x2048xbf16>
    %slice3A_19 = vector.extract_strided_slice %get3A_3 {offsets = [2048, 0], sizes = [2048, 64], strides = [1, 1]} : vector<4096x64xbf16> to vector<2048x64xbf16>
    %dot_general3A_20 = arith.constant dense<0.000000e+00> : vector<512x64xf32>
    %dot_general3A_21 = tpu.matmul %slice3A_18, %slice3A_19, %dot_general3A_20 {dimension_numbers = #tpu.dot_dimension_numbers<[1], [0], [0], [1], [0, 0, 1, 1], [], []>, transpose_lhs_hint = false} : vector<512x2048xbf16>, vector<2048x64xbf16>, vector<512x64xf32> -> vector<512x64xf32>
    %mul3A_22 = arith.constant 2.000000e+01 : f32
    %mul3A_23 = vector.broadcast %mul3A_22 : f32 to vector<512x64xf32>
    %mul3A_24 = arith.mulf %dot_general3A_21, %mul3A_23 : vector<512x64xf32>
    %get3A_25 = arith.constant 0 : index
    %get3A_26 = arith.constant 0 : index
    %get3A_27 = vector.load %arg20[%get3A_25, %get3A_26] : memref<1x64xf32, #tpu.memory_space<vmem>>, vector<1x64xf32>
    %exp3A = math.exp %mul3A_17 : vector<512x64xf32>
    %reduce_sum3A = arith.constant dense<0.000000e+00> : vector<64xf32>
    %reduce_sum3A_28 = vector.multi_reduction <add>, %exp3A, %reduce_sum3A [0] : vector<512x64xf32> to vector<64xf32>
    %broadcast_in_dim3A = vector.shape_cast %reduce_sum3A_28 : vector<64xf32> to vector<1x64xf32>
    %add3A_29 = arith.addf %get3A_27, %broadcast_in_dim3A : vector<1x64xf32>
    %swap3A = arith.constant 0 : index
    %swap3A_30 = arith.constant 0 : index
    %swap3A_31 = vector.load %arg20[%swap3A, %swap3A_30] : memref<1x64xf32, #tpu.memory_space<vmem>>, vector<1x64xf32>
    tpu.vector_store %arg20[%swap3A, %swap3A_30], %add3A_29 {strides = array<i32>} : memref<1x64xf32, #tpu.memory_space<vmem>>, vector<1x64xf32>,
    %get3A_32 = arith.constant 0 : index
    %get3A_33 = arith.constant 0 : index
    %get3A_34 = vector.load %arg21[%get3A_32, %get3A_33] : memref<1x64xf32, #tpu.memory_space<vmem>>, vector<1x64xf32>
    %exp3A_35 = math.exp %mul3A_24 : vector<512x64xf32>
    %reduce_sum3A_36 = arith.constant dense<0.000000e+00> : vector<64xf32>
    %reduce_sum3A_37 = vector.multi_reduction <add>, %exp3A_35, %reduce_sum3A_36 [0] : vector<512x64xf32> to vector<64xf32>
    %broadcast_in_dim3A_38 = vector.shape_cast %reduce_sum3A_37 : vector<64xf32> to vector<1x64xf32>
    %add3A_39 = arith.addf %get3A_34, %broadcast_in_dim3A_38 : vector<1x64xf32>
    %swap3A_40 = arith.constant 0 : index
    %swap3A_41 = arith.constant 0 : index
    %swap3A_42 = vector.load %arg21[%swap3A_40, %swap3A_41] : memref<1x64xf32, #tpu.memory_space<vmem>>, vector<1x64xf32>
    tpu.vector_store %arg21[%swap3A_40, %swap3A_41], %add3A_39 {strides = array<i32>} : memref<1x64xf32, #tpu.memory_space<vmem>>, vector<1x64xf32>,
    %iota3A = tpu.iota {dimensions = array<i32: 0>} : vector<512x64xi32>
    %mul3A_43 = arith.constant 512 : i32
    %mul3A_44 = arith.muli %add3A_5, %mul3A_43 : i32
    %add3A_45 = vector.broadcast %mul3A_44 : i32 to vector<512x64xi32>
    %add3A_46 = arith.addi %iota3A, %add3A_45 : vector<512x64xi32>
    %get3A_47 = arith.constant 0 : index
    %get3A_48 = arith.constant 0 : index
    %get3A_49 = vector.load %arg2[%get3A_47, %get3A_48] : memref<1x64xi32, #tpu.memory_space<vmem>>, vector<1x64xi32>
    %eq3A_50 = vector.broadcast %get3A_49 : vector<1x64xi32> to vector<512x64xi32>
    %eq3A_51 = arith.cmpi eq, %add3A_46, %eq3A_50 : vector<512x64xi32>
    %get3A_52 = arith.constant 0 : index
    %get3A_53 = arith.constant 0 : index
    %get3A_54 = vector.load %arg22[%get3A_52, %get3A_53] : memref<1x64xf32, #tpu.memory_space<vmem>>, vector<1x64xf32>
    %jit3A = arith.constant 0.000000e+00 : f32
    %broadcast_in_dim3A_55 = vector.broadcast %jit3A : f32 to vector<512x64xf32>
    %select_n3A = arith.select %eq3A_51, %mul3A_17, %broadcast_in_dim3A_55 : vector<512x64xi1>, vector<512x64xf32>
    %reduce_sum3A_56 = arith.constant dense<0.000000e+00> : vector<64xf32>
    %reduce_sum3A_57 = vector.multi_reduction <add>, %select_n3A, %reduce_sum3A_56 [0] : vector<512x64xf32> to vector<64xf32>
    %broadcast_in_dim3A_58 = vector.shape_cast %reduce_sum3A_57 : vector<64xf32> to vector<1x64xf32>
    %add3A_59 = arith.addf %get3A_54, %broadcast_in_dim3A_58 : vector<1x64xf32>
    %swap3A_60 = arith.constant 0 : index
    %swap3A_61 = arith.constant 0 : index
    %swap3A_62 = vector.load %arg22[%swap3A_60, %swap3A_61] : memref<1x64xf32, #tpu.memory_space<vmem>>, vector<1x64xf32>
    tpu.vector_store %arg22[%swap3A_60, %swap3A_61], %add3A_59 {strides = array<i32>} : memref<1x64xf32, #tpu.memory_space<vmem>>, vector<1x64xf32>,
    %get3A_63 = arith.constant 0 : index
    %get3A_64 = arith.constant 0 : index
    %get3A_65 = vector.load %arg23[%get3A_63, %get3A_64] : memref<1x64xf32, #tpu.memory_space<vmem>>, vector<1x64xf32>
    %jit3A_66 = arith.constant 0.000000e+00 : f32
    %broadcast_in_dim3A_67 = vector.broadcast %jit3A_66 : f32 to vector<512x64xf32>
    %select_n3A_68 = arith.select %eq3A_51, %mul3A_24, %broadcast_in_dim3A_67 : vector<512x64xi1>, vector<512x64xf32>
    %reduce_sum3A_69 = arith.constant dense<0.000000e+00> : vector<64xf32>
    %reduce_sum3A_70 = vector.multi_reduction <add>, %select_n3A_68, %reduce_sum3A_69 [0] : vector<512x64xf32> to vector<64xf32>
    %broadcast_in_dim3A_71 = vector.shape_cast %reduce_sum3A_70 : vector<64xf32> to vector<1x64xf32>
    %add3A_72 = arith.addf %get3A_65, %broadcast_in_dim3A_71 : vector<1x64xf32>
    %swap3A_73 = arith.constant 0 : index
    %swap3A_74 = arith.constant 0 : index
    %swap3A_75 = vector.load %arg23[%swap3A_73, %swap3A_74] : memref<1x64xf32, #tpu.memory_space<vmem>>, vector<1x64xf32>
    tpu.vector_store %arg23[%swap3A_73, %swap3A_74], %add3A_72 {strides = array<i32>} : memref<1x64xf32, #tpu.memory_space<vmem>>, vector<1x64xf32>,
    %mul3A_76 = arith.constant 512 : i32
    %mul3A_77 = arith.muli %add3A_5, %mul3A_76 : i32
    %dma_start3A = arith.constant 0 : i32
    %dma_start3A_78 = tpu.memref_slice %arg5[%mul3A_77, %dma_start3A] : memref<16384x4096xf32, #tpu.memory_space<any>> -> memref<512x4096xf32, #tpu.memory_space<any>>
    tpu.enqueue_dma source(%arg8 : memref<512x4096xf32, #tpu.memory_space<vmem>>) target(%dma_start3A_78 : memref<512x4096xf32, #tpu.memory_space<any>>) target_semaphore(%arg16 : memref<!tpu.dma_semaphore, #tpu.memory_space<semaphore_mem>>)
    %add3A_79 = arith.constant 2 : i32
    %add3A_80 = arith.addi %add3A_5, %add3A_79 : i32
    %lt3A = arith.constant 32 : i32
    %lt3A_81 = arith.cmpi slt, %add3A_80, %lt3A : i32
    %convert_element_type3A_82 = arith.extui %lt3A_81 : i1 to i32
    %cond3A_83 = arith.constant 0 : i32
    %cond3A_84 = arith.cmpi ne, %convert_element_type3A_82, %cond3A_83 : i32
    scf.if %cond3A_84 {
      %ge3A = arith.constant 4 : i32
      %ge3A_375 = arith.cmpi sge, %add3A_80, %ge3A : i32
      %convert_element_type3A_376 = arith.extui %ge3A_375 : i1 to i32
      %cond3A_377 = arith.constant 0 : i32
      %cond3A_378 = arith.cmpi ne, %convert_element_type3A_376, %cond3A_377 : i32
      scf.if %cond3A_378 {
        %sub3A = arith.constant 4 : i32
        %sub3A_383 = arith.subi %add3A_80, %sub3A : i32
        %mul3A_384 = arith.constant 512 : i32
        %mul3A_385 = arith.muli %sub3A_383, %mul3A_384 : i32
        %dma_wait3A_386 = arith.constant 0 : i32
        %dma_wait3A_387 = tpu.memref_slice %arg5[%mul3A_385, %dma_wait3A_386] : memref<16384x4096xf32, #tpu.memory_space<any>> -> memref<512x4096xf32, #tpu.memory_space<any>>
        tpu.wait_dma2 semaphore(%arg18 : memref<!tpu.dma_semaphore, #tpu.memory_space<semaphore_mem>>) src(%arg10 : memref<512x4096xf32, #tpu.memory_space<vmem>>) dst(%dma_wait3A_387 : memref<512x4096xf32, #tpu.memory_space<any>>)
      } else {
      }
      %mul3A_379 = arith.constant 512 : i32
      %mul3A_380 = arith.muli %add3A_80, %mul3A_379 : i32
      %dma_start3A_381 = arith.constant 0 : i32
      %dma_start3A_382 = tpu.memref_slice %arg4[%mul3A_380, %dma_start3A_381] : memref<16384x4096xf32, #tpu.memory_space<any>> -> memref<512x4096xf32, #tpu.memory_space<any>>
      tpu.enqueue_dma source(%dma_start3A_382 : memref<512x4096xf32, #tpu.memory_space<any>>) target(%arg10 : memref<512x4096xf32, #tpu.memory_space<vmem>>) target_semaphore(%arg14 : memref<!tpu.dma_semaphore, #tpu.memory_space<semaphore_mem>>)
    } else {
    }
    %mul3A_85 = arith.constant 4 : i32
    %mul3A_86 = arith.muli %arg0, %mul3A_85 : i32
    %add3A_87 = arith.constant 1 : i32
    %add3A_88 = arith.addi %mul3A_86, %add3A_87 : i32
    %mul3A_89 = arith.constant 512 : i32
    %mul3A_90 = arith.muli %add3A_88, %mul3A_89 : i32
    %dma_wait3A_91 = arith.constant 0 : i32
    %dma_wait3A_92 = tpu.memref_slice %arg4[%mul3A_90, %dma_wait3A_91] : memref<16384x4096xf32, #tpu.memory_space<any>> -> memref<512x4096xf32, #tpu.memory_space<any>>
    tpu.wait_dma2 semaphore(%arg13 : memref<!tpu.dma_semaphore, #tpu.memory_space<semaphore_mem>>) src(%dma_wait3A_92 : memref<512x4096xf32, #tpu.memory_space<any>>) dst(%arg9 : memref<512x4096xf32, #tpu.memory_space<vmem>>)
    %get3A_93 = arith.constant 0 : index
    %get3A_94 = arith.constant 0 : index
    %get3A_95 = vector.load %arg9[%get3A_93, %get3A_94] : memref<512x4096xf32, #tpu.memory_space<vmem>>, vector<512x4096xf32>
    %convert_element_type3A_96 = arith.truncf %get3A_95 : vector<512x4096xf32> to vector<512x4096xbf16>
    %slice3A_97 = vector.extract_strided_slice %convert_element_type3A_96 {offsets = [0, 0], sizes = [512, 2048], strides = [1, 1]} : vector<512x4096xbf16> to vector<512x2048xbf16>
    %slice3A_98 = vector.extract_strided_slice %get3A_3 {offsets = [0, 0], sizes = [2048, 64], strides = [1, 1]} : vector<4096x64xbf16> to vector<2048x64xbf16>
    %dot_general3A_99 = arith.constant dense<0.000000e+00> : vector<512x64xf32>
    %dot_general3A_100 = tpu.matmul %slice3A_97, %slice3A_98, %dot_general3A_99 {dimension_numbers = #tpu.dot_dimension_numbers<[1], [0], [0], [1], [0, 0, 1, 1], [], []>, transpose_lhs_hint = false} : vector<512x2048xbf16>, vector<2048x64xbf16>, vector<512x64xf32> -> vector<512x64xf32>
    %mul3A_101 = arith.constant 2.000000e+01 : f32
    %mul3A_102 = vector.broadcast %mul3A_101 : f32 to vector<512x64xf32>
    %mul3A_103 = arith.mulf %dot_general3A_100, %mul3A_102 : vector<512x64xf32>
    %slice3A_104 = vector.extract_strided_slice %convert_element_type3A_96 {offsets = [0, 2048], sizes = [512, 2048], strides = [1, 1]} : vector<512x4096xbf16> to vector<512x2048xbf16>
    %slice3A_105 = vector.extract_strided_slice %get3A_3 {offsets = [2048, 0], sizes = [2048, 64], strides = [1, 1]} : vector<4096x64xbf16> to vector<2048x64xbf16>
    %dot_general3A_106 = arith.constant dense<0.000000e+00> : vector<512x64xf32>
    %dot_general3A_107 = tpu.matmul %slice3A_104, %slice3A_105, %dot_general3A_106 {dimension_numbers = #tpu.dot_dimension_numbers<[1], [0], [0], [1], [0, 0, 1, 1], [], []>, transpose_lhs_hint = false} : vector<512x2048xbf16>, vector<2048x64xbf16>, vector<512x64xf32> -> vector<512x64xf32>
    %mul3A_108 = arith.constant 2.000000e+01 : f32
    %mul3A_109 = vector.broadcast %mul3A_108 : f32 to vector<512x64xf32>
    %mul3A_110 = arith.mulf %dot_general3A_107, %mul3A_109 : vector<512x64xf32>
    %get3A_111 = arith.constant 0 : index
    %get3A_112 = arith.constant 0 : index
    %get3A_113 = vector.load %arg20[%get3A_111, %get3A_112] : memref<1x64xf32, #tpu.memory_space<vmem>>, vector<1x64xf32>
    %exp3A_114 = math.exp %mul3A_103 : vector<512x64xf32>
    %reduce_sum3A_115 = arith.constant dense<0.000000e+00> : vector<64xf32>
    %reduce_sum3A_116 = vector.multi_reduction <add>, %exp3A_114, %reduce_sum3A_115 [0] : vector<512x64xf32> to vector<64xf32>
    %broadcast_in_dim3A_117 = vector.shape_cast %reduce_sum3A_116 : vector<64xf32> to vector<1x64xf32>
    %add3A_118 = arith.addf %get3A_113, %broadcast_in_dim3A_117 : vector<1x64xf32>
    %swap3A_119 = arith.constant 0 : index
    %swap3A_120 = arith.constant 0 : index
    %swap3A_121 = vector.load %arg20[%swap3A_119, %swap3A_120] : memref<1x64xf32, #tpu.memory_space<vmem>>, vector<1x64xf32>
    tpu.vector_store %arg20[%swap3A_119, %swap3A_120], %add3A_118 {strides = array<i32>} : memref<1x64xf32, #tpu.memory_space<vmem>>, vector<1x64xf32>,
    %get3A_122 = arith.constant 0 : index
    %get3A_123 = arith.constant 0 : index
    %get3A_124 = vector.load %arg21[%get3A_122, %get3A_123] : memref<1x64xf32, #tpu.memory_space<vmem>>, vector<1x64xf32>
    %exp3A_125 = math.exp %mul3A_110 : vector<512x64xf32>
    %reduce_sum3A_126 = arith.constant dense<0.000000e+00> : vector<64xf32>
    %reduce_sum3A_127 = vector.multi_reduction <add>, %exp3A_125, %reduce_sum3A_126 [0] : vector<512x64xf32> to vector<64xf32>
    %broadcast_in_dim3A_128 = vector.shape_cast %reduce_sum3A_127 : vector<64xf32> to vector<1x64xf32>
    %add3A_129 = arith.addf %get3A_124, %broadcast_in_dim3A_128 : vector<1x64xf32>
    %swap3A_130 = arith.constant 0 : index
    %swap3A_131 = arith.constant 0 : index
    %swap3A_132 = vector.load %arg21[%swap3A_130, %swap3A_131] : memref<1x64xf32, #tpu.memory_space<vmem>>, vector<1x64xf32>
    tpu.vector_store %arg21[%swap3A_130, %swap3A_131], %add3A_129 {strides = array<i32>} : memref<1x64xf32, #tpu.memory_space<vmem>>, vector<1x64xf32>,
    %iota3A_133 = tpu.iota {dimensions = array<i32: 0>} : vector<512x64xi32>
    %mul3A_134 = arith.constant 512 : i32
    %mul3A_135 = arith.muli %add3A_88, %mul3A_134 : i32
    %add3A_136 = vector.broadcast %mul3A_135 : i32 to vector<512x64xi32>
    %add3A_137 = arith.addi %iota3A_133, %add3A_136 : vector<512x64xi32>
    %get3A_138 = arith.constant 0 : index
    %get3A_139 = arith.constant 0 : index
    %get3A_140 = vector.load %arg2[%get3A_138, %get3A_139] : memref<1x64xi32, #tpu.memory_space<vmem>>, vector<1x64xi32>
    %eq3A_141 = vector.broadcast %get3A_140 : vector<1x64xi32> to vector<512x64xi32>
    %eq3A_142 = arith.cmpi eq, %add3A_137, %eq3A_141 : vector<512x64xi32>
    %get3A_143 = arith.constant 0 : index
    %get3A_144 = arith.constant 0 : index
    %get3A_145 = vector.load %arg22[%get3A_143, %get3A_144] : memref<1x64xf32, #tpu.memory_space<vmem>>, vector<1x64xf32>
    %jit3A_146 = arith.constant 0.000000e+00 : f32
    %broadcast_in_dim3A_147 = vector.broadcast %jit3A_146 : f32 to vector<512x64xf32>
    %select_n3A_148 = arith.select %eq3A_142, %mul3A_103, %broadcast_in_dim3A_147 : vector<512x64xi1>, vector<512x64xf32>
    %reduce_sum3A_149 = arith.constant dense<0.000000e+00> : vector<64xf32>
    %reduce_sum3A_150 = vector.multi_reduction <add>, %select_n3A_148, %reduce_sum3A_149 [0] : vector<512x64xf32> to vector<64xf32>
    %broadcast_in_dim3A_151 = vector.shape_cast %reduce_sum3A_150 : vector<64xf32> to vector<1x64xf32>
    %add3A_152 = arith.addf %get3A_145, %broadcast_in_dim3A_151 : vector<1x64xf32>
    %swap3A_153 = arith.constant 0 : index
    %swap3A_154 = arith.constant 0 : index
    %swap3A_155 = vector.load %arg22[%swap3A_153, %swap3A_154] : memref<1x64xf32, #tpu.memory_space<vmem>>, vector<1x64xf32>
    tpu.vector_store %arg22[%swap3A_153, %swap3A_154], %add3A_152 {strides = array<i32>} : memref<1x64xf32, #tpu.memory_space<vmem>>, vector<1x64xf32>,
    %get3A_156 = arith.constant 0 : index
    %get3A_157 = arith.constant 0 : index
    %get3A_158 = vector.load %arg23[%get3A_156, %get3A_157] : memref<1x64xf32, #tpu.memory_space<vmem>>, vector<1x64xf32>
    %jit3A_159 = arith.constant 0.000000e+00 : f32
    %broadcast_in_dim3A_160 = vector.broadcast %jit3A_159 : f32 to vector<512x64xf32>
    %select_n3A_161 = arith.select %eq3A_142, %mul3A_110, %broadcast_in_dim3A_160 : vector<512x64xi1>, vector<512x64xf32>
    %reduce_sum3A_162 = arith.constant dense<0.000000e+00> : vector<64xf32>
    %reduce_sum3A_163 = vector.multi_reduction <add>, %select_n3A_161, %reduce_sum3A_162 [0] : vector<512x64xf32> to vector<64xf32>
    %broadcast_in_dim3A_164 = vector.shape_cast %reduce_sum3A_163 : vector<64xf32> to vector<1x64xf32>
    %add3A_165 = arith.addf %get3A_158, %broadcast_in_dim3A_164 : vector<1x64xf32>
    %swap3A_166 = arith.constant 0 : index
    %swap3A_167 = arith.constant 0 : index
    %swap3A_168 = vector.load %arg23[%swap3A_166, %swap3A_167] : memref<1x64xf32, #tpu.memory_space<vmem>>, vector<1x64xf32>
    tpu.vector_store %arg23[%swap3A_166, %swap3A_167], %add3A_165 {strides = array<i32>} : memref<1x64xf32, #tpu.memory_space<vmem>>, vector<1x64xf32>,
    %mul3A_169 = arith.constant 512 : i32
    %mul3A_170 = arith.muli %add3A_88, %mul3A_169 : i32
    %dma_start3A_171 = arith.constant 0 : i32
    %dma_start3A_172 = tpu.memref_slice %arg5[%mul3A_170, %dma_start3A_171] : memref<16384x4096xf32, #tpu.memory_space<any>> -> memref<512x4096xf32, #tpu.memory_space<any>>
    tpu.enqueue_dma source(%arg9 : memref<512x4096xf32, #tpu.memory_space<vmem>>) target(%dma_start3A_172 : memref<512x4096xf32, #tpu.memory_space<any>>) target_semaphore(%arg17 : memref<!tpu.dma_semaphore, #tpu.memory_space<semaphore_mem>>)
    %add3A_173 = arith.constant 2 : i32
    %add3A_174 = arith.addi %add3A_88, %add3A_173 : i32
    %lt3A_175 = arith.constant 32 : i32
    %lt3A_176 = arith.cmpi slt, %add3A_174, %lt3A_175 : i32
    %convert_element_type3A_177 = arith.extui %lt3A_176 : i1 to i32
    %cond3A_178 = arith.constant 0 : i32
    %cond3A_179 = arith.cmpi ne, %convert_element_type3A_177, %cond3A_178 : i32
    scf.if %cond3A_179 {
      %ge3A = arith.constant 4 : i32
      %ge3A_375 = arith.cmpi sge, %add3A_174, %ge3A : i32
      %convert_element_type3A_376 = arith.extui %ge3A_375 : i1 to i32
      %cond3A_377 = arith.constant 0 : i32
      %cond3A_378 = arith.cmpi ne, %convert_element_type3A_376, %cond3A_377 : i32
      scf.if %cond3A_378 {
        %sub3A = arith.constant 4 : i32
        %sub3A_383 = arith.subi %add3A_174, %sub3A : i32
        %mul3A_384 = arith.constant 512 : i32
        %mul3A_385 = arith.muli %sub3A_383, %mul3A_384 : i32
        %dma_wait3A_386 = arith.constant 0 : i32
        %dma_wait3A_387 = tpu.memref_slice %arg5[%mul3A_385, %dma_wait3A_386] : memref<16384x4096xf32, #tpu.memory_space<any>> -> memref<512x4096xf32, #tpu.memory_space<any>>
        tpu.wait_dma2 semaphore(%arg19 : memref<!tpu.dma_semaphore, #tpu.memory_space<semaphore_mem>>) src(%arg11 : memref<512x4096xf32, #tpu.memory_space<vmem>>) dst(%dma_wait3A_387 : memref<512x4096xf32, #tpu.memory_space<any>>)
      } else {
      }
      %mul3A_379 = arith.constant 512 : i32
      %mul3A_380 = arith.muli %add3A_174, %mul3A_379 : i32
      %dma_start3A_381 = arith.constant 0 : i32
      %dma_start3A_382 = tpu.memref_slice %arg4[%mul3A_380, %dma_start3A_381] : memref<16384x4096xf32, #tpu.memory_space<any>> -> memref<512x4096xf32, #tpu.memory_space<any>>
      tpu.enqueue_dma source(%dma_start3A_382 : memref<512x4096xf32, #tpu.memory_space<any>>) target(%arg11 : memref<512x4096xf32, #tpu.memory_space<vmem>>) target_semaphore(%arg15 : memref<!tpu.dma_semaphore, #tpu.memory_space<semaphore_mem>>)
    } else {
    }
    %mul3A_180 = arith.constant 4 : i32
    %mul3A_181 = arith.muli %arg0, %mul3A_180 : i32
    %add3A_182 = arith.constant 2 : i32
    %add3A_183 = arith.addi %mul3A_181, %add3A_182 : i32
    %mul3A_184 = arith.constant 512 : i32
    %mul3A_185 = arith.muli %add3A_183, %mul3A_184 : i32
    %dma_wait3A_186 = arith.constant 0 : i32
    %dma_wait3A_187 = tpu.memref_slice %arg4[%mul3A_185, %dma_wait3A_186] : memref<16384x4096xf32, #tpu.memory_space<any>> -> memref<512x4096xf32, #tpu.memory_space<any>>
    tpu.wait_dma2 semaphore(%arg14 : memref<!tpu.dma_semaphore, #tpu.memory_space<semaphore_mem>>) src(%dma_wait3A_187 : memref<512x4096xf32, #tpu.memory_space<any>>) dst(%arg10 : memref<512x4096xf32, #tpu.memory_space<vmem>>)
    %get3A_188 = arith.constant 0 : index
    %get3A_189 = arith.constant 0 : index
    %get3A_190 = vector.load %arg10[%get3A_188, %get3A_189] : memref<512x4096xf32, #tpu.memory_space<vmem>>, vector<512x4096xf32>
    %convert_element_type3A_191 = arith.truncf %get3A_190 : vector<512x4096xf32> to vector<512x4096xbf16>
    %slice3A_192 = vector.extract_strided_slice %convert_element_type3A_191 {offsets = [0, 0], sizes = [512, 2048], strides = [1, 1]} : vector<512x4096xbf16> to vector<512x2048xbf16>
    %slice3A_193 = vector.extract_strided_slice %get3A_3 {offsets = [0, 0], sizes = [2048, 64], strides = [1, 1]} : vector<4096x64xbf16> to vector<2048x64xbf16>
    %dot_general3A_194 = arith.constant dense<0.000000e+00> : vector<512x64xf32>
    %dot_general3A_195 = tpu.matmul %slice3A_192, %slice3A_193, %dot_general3A_194 {dimension_numbers = #tpu.dot_dimension_numbers<[1], [0], [0], [1], [0, 0, 1, 1], [], []>, transpose_lhs_hint = false} : vector<512x2048xbf16>, vector<2048x64xbf16>, vector<512x64xf32> -> vector<512x64xf32>
    %mul3A_196 = arith.constant 2.000000e+01 : f32
    %mul3A_197 = vector.broadcast %mul3A_196 : f32 to vector<512x64xf32>
    %mul3A_198 = arith.mulf %dot_general3A_195, %mul3A_197 : vector<512x64xf32>
    %slice3A_199 = vector.extract_strided_slice %convert_element_type3A_191 {offsets = [0, 2048], sizes = [512, 2048], strides = [1, 1]} : vector<512x4096xbf16> to vector<512x2048xbf16>
    %slice3A_200 = vector.extract_strided_slice %get3A_3 {offsets = [2048, 0], sizes = [2048, 64], strides = [1, 1]} : vector<4096x64xbf16> to vector<2048x64xbf16>
    %dot_general3A_201 = arith.constant dense<0.000000e+00> : vector<512x64xf32>
    %dot_general3A_202 = tpu.matmul %slice3A_199, %slice3A_200, %dot_general3A_201 {dimension_numbers = #tpu.dot_dimension_numbers<[1], [0], [0], [1], [0, 0, 1, 1], [], []>, transpose_lhs_hint = false} : vector<512x2048xbf16>, vector<2048x64xbf16>, vector<512x64xf32> -> vector<512x64xf32>
    %mul3A_203 = arith.constant 2.000000e+01 : f32
    %mul3A_204 = vector.broadcast %mul3A_203 : f32 to vector<512x64xf32>
    %mul3A_205 = arith.mulf %dot_general3A_202, %mul3A_204 : vector<512x64xf32>
    %get3A_206 = arith.constant 0 : index
    %get3A_207 = arith.constant 0 : index
    %get3A_208 = vector.load %arg20[%get3A_206, %get3A_207] : memref<1x64xf32, #tpu.memory_space<vmem>>, vector<1x64xf32>
    %exp3A_209 = math.exp %mul3A_198 : vector<512x64xf32>
    %reduce_sum3A_210 = arith.constant dense<0.000000e+00> : vector<64xf32>
    %reduce_sum3A_211 = vector.multi_reduction <add>, %exp3A_209, %reduce_sum3A_210 [0] : vector<512x64xf32> to vector<64xf32>
    %broadcast_in_dim3A_212 = vector.shape_cast %reduce_sum3A_211 : vector<64xf32> to vector<1x64xf32>
    %add3A_213 = arith.addf %get3A_208, %broadcast_in_dim3A_212 : vector<1x64xf32>
    %swap3A_214 = arith.constant 0 : index
    %swap3A_215 = arith.constant 0 : index
    %swap3A_216 = vector.load %arg20[%swap3A_214, %swap3A_215] : memref<1x64xf32, #tpu.memory_space<vmem>>, vector<1x64xf32>
    tpu.vector_store %arg20[%swap3A_214, %swap3A_215], %add3A_213 {strides = array<i32>} : memref<1x64xf32, #tpu.memory_space<vmem>>, vector<1x64xf32>,
    %get3A_217 = arith.constant 0 : index
    %get3A_218 = arith.constant 0 : index
    %get3A_219 = vector.load %arg21[%get3A_217, %get3A_218] : memref<1x64xf32, #tpu.memory_space<vmem>>, vector<1x64xf32>
    %exp3A_220 = math.exp %mul3A_205 : vector<512x64xf32>
    %reduce_sum3A_221 = arith.constant dense<0.000000e+00> : vector<64xf32>
    %reduce_sum3A_222 = vector.multi_reduction <add>, %exp3A_220, %reduce_sum3A_221 [0] : vector<512x64xf32> to vector<64xf32>
    %broadcast_in_dim3A_223 = vector.shape_cast %reduce_sum3A_222 : vector<64xf32> to vector<1x64xf32>
    %add3A_224 = arith.addf %get3A_219, %broadcast_in_dim3A_223 : vector<1x64xf32>
    %swap3A_225 = arith.constant 0 : index
    %swap3A_226 = arith.constant 0 : index
    %swap3A_227 = vector.load %arg21[%swap3A_225, %swap3A_226] : memref<1x64xf32, #tpu.memory_space<vmem>>, vector<1x64xf32>
    tpu.vector_store %arg21[%swap3A_225, %swap3A_226], %add3A_224 {strides = array<i32>} : memref<1x64xf32, #tpu.memory_space<vmem>>, vector<1x64xf32>,
    %iota3A_228 = tpu.iota {dimensions = array<i32: 0>} : vector<512x64xi32>
    %mul3A_229 = arith.constant 512 : i32
    %mul3A_230 = arith.muli %add3A_183, %mul3A_229 : i32
    %add3A_231 = vector.broadcast %mul3A_230 : i32 to vector<512x64xi32>
    %add3A_232 = arith.addi %iota3A_228, %add3A_231 : vector<512x64xi32>
    %get3A_233 = arith.constant 0 : index
    %get3A_234 = arith.constant 0 : index
    %get3A_235 = vector.load %arg2[%get3A_233, %get3A_234] : memref<1x64xi32, #tpu.memory_space<vmem>>, vector<1x64xi32>
    %eq3A_236 = vector.broadcast %get3A_235 : vector<1x64xi32> to vector<512x64xi32>
    %eq3A_237 = arith.cmpi eq, %add3A_232, %eq3A_236 : vector<512x64xi32>
    %get3A_238 = arith.constant 0 : index
    %get3A_239 = arith.constant 0 : index
    %get3A_240 = vector.load %arg22[%get3A_238, %get3A_239] : memref<1x64xf32, #tpu.memory_space<vmem>>, vector<1x64xf32>
    %jit3A_241 = arith.constant 0.000000e+00 : f32
    %broadcast_in_dim3A_242 = vector.broadcast %jit3A_241 : f32 to vector<512x64xf32>
    %select_n3A_243 = arith.select %eq3A_237, %mul3A_198, %broadcast_in_dim3A_242 : vector<512x64xi1>, vector<512x64xf32>
    %reduce_sum3A_244 = arith.constant dense<0.000000e+00> : vector<64xf32>
    %reduce_sum3A_245 = vector.multi_reduction <add>, %select_n3A_243, %reduce_sum3A_244 [0] : vector<512x64xf32> to vector<64xf32>
    %broadcast_in_dim3A_246 = vector.shape_cast %reduce_sum3A_245 : vector<64xf32> to vector<1x64xf32>
    %add3A_247 = arith.addf %get3A_240, %broadcast_in_dim3A_246 : vector<1x64xf32>
    %swap3A_248 = arith.constant 0 : index
    %swap3A_249 = arith.constant 0 : index
    %swap3A_250 = vector.load %arg22[%swap3A_248, %swap3A_249] : memref<1x64xf32, #tpu.memory_space<vmem>>, vector<1x64xf32>
    tpu.vector_store %arg22[%swap3A_248, %swap3A_249], %add3A_247 {strides = array<i32>} : memref<1x64xf32, #tpu.memory_space<vmem>>, vector<1x64xf32>,
    %get3A_251 = arith.constant 0 : index
    %get3A_252 = arith.constant 0 : index
    %get3A_253 = vector.load %arg23[%get3A_251, %get3A_252] : memref<1x64xf32, #tpu.memory_space<vmem>>, vector<1x64xf32>
    %jit3A_254 = arith.constant 0.000000e+00 : f32
    %broadcast_in_dim3A_255 = vector.broadcast %jit3A_254 : f32 to vector<512x64xf32>
    %select_n3A_256 = arith.select %eq3A_237, %mul3A_205, %broadcast_in_dim3A_255 : vector<512x64xi1>, vector<512x64xf32>
    %reduce_sum3A_257 = arith.constant dense<0.000000e+00> : vector<64xf32>
    %reduce_sum3A_258 = vector.multi_reduction <add>, %select_n3A_256, %reduce_sum3A_257 [0] : vector<512x64xf32> to vector<64xf32>
    %broadcast_in_dim3A_259 = vector.shape_cast %reduce_sum3A_258 : vector<64xf32> to vector<1x64xf32>
    %add3A_260 = arith.addf %get3A_253, %broadcast_in_dim3A_259 : vector<1x64xf32>
    %swap3A_261 = arith.constant 0 : index
    %swap3A_262 = arith.constant 0 : index
    %swap3A_263 = vector.load %arg23[%swap3A_261, %swap3A_262] : memref<1x64xf32, #tpu.memory_space<vmem>>, vector<1x64xf32>
    tpu.vector_store %arg23[%swap3A_261, %swap3A_262], %add3A_260 {strides = array<i32>} : memref<1x64xf32, #tpu.memory_space<vmem>>, vector<1x64xf32>,
    %mul3A_264 = arith.constant 512 : i32
    %mul3A_265 = arith.muli %add3A_183, %mul3A_264 : i32
    %dma_start3A_266 = arith.constant 0 : i32
    %dma_start3A_267 = tpu.memref_slice %arg5[%mul3A_265, %dma_start3A_266] : memref<16384x4096xf32, #tpu.memory_space<any>> -> memref<512x4096xf32, #tpu.memory_space<any>>
    tpu.enqueue_dma source(%arg10 : memref<512x4096xf32, #tpu.memory_space<vmem>>) target(%dma_start3A_267 : memref<512x4096xf32, #tpu.memory_space<any>>) target_semaphore(%arg18 : memref<!tpu.dma_semaphore, #tpu.memory_space<semaphore_mem>>)
    %add3A_268 = arith.constant 2 : i32
    %add3A_269 = arith.addi %add3A_183, %add3A_268 : i32
    %lt3A_270 = arith.constant 32 : i32
    %lt3A_271 = arith.cmpi slt, %add3A_269, %lt3A_270 : i32
    %convert_element_type3A_272 = arith.extui %lt3A_271 : i1 to i32
    %cond3A_273 = arith.constant 0 : i32
    %cond3A_274 = arith.cmpi ne, %convert_element_type3A_272, %cond3A_273 : i32
    scf.if %cond3A_274 {
      %ge3A = arith.constant 4 : i32
      %ge3A_375 = arith.cmpi sge, %add3A_269, %ge3A : i32
      %convert_element_type3A_376 = arith.extui %ge3A_375 : i1 to i32
      %cond3A_377 = arith.constant 0 : i32
      %cond3A_378 = arith.cmpi ne, %convert_element_type3A_376, %cond3A_377 : i32
      scf.if %cond3A_378 {
        %sub3A = arith.constant 4 : i32
        %sub3A_383 = arith.subi %add3A_269, %sub3A : i32
        %mul3A_384 = arith.constant 512 : i32
        %mul3A_385 = arith.muli %sub3A_383, %mul3A_384 : i32
        %dma_wait3A_386 = arith.constant 0 : i32
        %dma_wait3A_387 = tpu.memref_slice %arg5[%mul3A_385, %dma_wait3A_386] : memref<16384x4096xf32, #tpu.memory_space<any>> -> memref<512x4096xf32, #tpu.memory_space<any>>
        tpu.wait_dma2 semaphore(%arg16 : memref<!tpu.dma_semaphore, #tpu.memory_space<semaphore_mem>>) src(%arg8 : memref<512x4096xf32, #tpu.memory_space<vmem>>) dst(%dma_wait3A_387 : memref<512x4096xf32, #tpu.memory_space<any>>)
      } else {
      }
      %mul3A_379 = arith.constant 512 : i32
      %mul3A_380 = arith.muli %add3A_269, %mul3A_379 : i32
      %dma_start3A_381 = arith.constant 0 : i32
      %dma_start3A_382 = tpu.memref_slice %arg4[%mul3A_380, %dma_start3A_381] : memref<16384x4096xf32, #tpu.memory_space<any>> -> memref<512x4096xf32, #tpu.memory_space<any>>
      tpu.enqueue_dma source(%dma_start3A_382 : memref<512x4096xf32, #tpu.memory_space<any>>) target(%arg8 : memref<512x4096xf32, #tpu.memory_space<vmem>>) target_semaphore(%arg12 : memref<!tpu.dma_semaphore, #tpu.memory_space<semaphore_mem>>)
    } else {
    }
    %mul3A_275 = arith.constant 4 : i32
    %mul3A_276 = arith.muli %arg0, %mul3A_275 : i32
    %add3A_277 = arith.constant 3 : i32
    %add3A_278 = arith.addi %mul3A_276, %add3A_277 : i32
    %mul3A_279 = arith.constant 512 : i32
    %mul3A_280 = arith.muli %add3A_278, %mul3A_279 : i32
    %dma_wait3A_281 = arith.constant 0 : i32
    %dma_wait3A_282 = tpu.memref_slice %arg4[%mul3A_280, %dma_wait3A_281] : memref<16384x4096xf32, #tpu.memory_space<any>> -> memref<512x4096xf32, #tpu.memory_space<any>>
    tpu.wait_dma2 semaphore(%arg15 : memref<!tpu.dma_semaphore, #tpu.memory_space<semaphore_mem>>) src(%dma_wait3A_282 : memref<512x4096xf32, #tpu.memory_space<any>>) dst(%arg11 : memref<512x4096xf32, #tpu.memory_space<vmem>>)
    %get3A_283 = arith.constant 0 : index
    %get3A_284 = arith.constant 0 : index
    %get3A_285 = vector.load %arg11[%get3A_283, %get3A_284] : memref<512x4096xf32, #tpu.memory_space<vmem>>, vector<512x4096xf32>
    %convert_element_type3A_286 = arith.truncf %get3A_285 : vector<512x4096xf32> to vector<512x4096xbf16>
    %slice3A_287 = vector.extract_strided_slice %convert_element_type3A_286 {offsets = [0, 0], sizes = [512, 2048], strides = [1, 1]} : vector<512x4096xbf16> to vector<512x2048xbf16>
    %slice3A_288 = vector.extract_strided_slice %get3A_3 {offsets = [0, 0], sizes = [2048, 64], strides = [1, 1]} : vector<4096x64xbf16> to vector<2048x64xbf16>
    %dot_general3A_289 = arith.constant dense<0.000000e+00> : vector<512x64xf32>
    %dot_general3A_290 = tpu.matmul %slice3A_287, %slice3A_288, %dot_general3A_289 {dimension_numbers = #tpu.dot_dimension_numbers<[1], [0], [0], [1], [0, 0, 1, 1], [], []>, transpose_lhs_hint = false} : vector<512x2048xbf16>, vector<2048x64xbf16>, vector<512x64xf32> -> vector<512x64xf32>
    %mul3A_291 = arith.constant 2.000000e+01 : f32
    %mul3A_292 = vector.broadcast %mul3A_291 : f32 to vector<512x64xf32>
    %mul3A_293 = arith.mulf %dot_general3A_290, %mul3A_292 : vector<512x64xf32>
    %slice3A_294 = vector.extract_strided_slice %convert_element_type3A_286 {offsets = [0, 2048], sizes = [512, 2048], strides = [1, 1]} : vector<512x4096xbf16> to vector<512x2048xbf16>
    %slice3A_295 = vector.extract_strided_slice %get3A_3 {offsets = [2048, 0], sizes = [2048, 64], strides = [1, 1]} : vector<4096x64xbf16> to vector<2048x64xbf16>
    %dot_general3A_296 = arith.constant dense<0.000000e+00> : vector<512x64xf32>
    %dot_general3A_297 = tpu.matmul %slice3A_294, %slice3A_295, %dot_general3A_296 {dimension_numbers = #tpu.dot_dimension_numbers<[1], [0], [0], [1], [0, 0, 1, 1], [], []>, transpose_lhs_hint = false} : vector<512x2048xbf16>, vector<2048x64xbf16>, vector<512x64xf32> -> vector<512x64xf32>
    %mul3A_298 = arith.constant 2.000000e+01 : f32
    %mul3A_299 = vector.broadcast %mul3A_298 : f32 to vector<512x64xf32>
    %mul3A_300 = arith.mulf %dot_general3A_297, %mul3A_299 : vector<512x64xf32>
    %get3A_301 = arith.constant 0 : index
    %get3A_302 = arith.constant 0 : index
    %get3A_303 = vector.load %arg20[%get3A_301, %get3A_302] : memref<1x64xf32, #tpu.memory_space<vmem>>, vector<1x64xf32>
    %exp3A_304 = math.exp %mul3A_293 : vector<512x64xf32>
    %reduce_sum3A_305 = arith.constant dense<0.000000e+00> : vector<64xf32>
    %reduce_sum3A_306 = vector.multi_reduction <add>, %exp3A_304, %reduce_sum3A_305 [0] : vector<512x64xf32> to vector<64xf32>
    %broadcast_in_dim3A_307 = vector.shape_cast %reduce_sum3A_306 : vector<64xf32> to vector<1x64xf32>
    %add3A_308 = arith.addf %get3A_303, %broadcast_in_dim3A_307 : vector<1x64xf32>
    %swap3A_309 = arith.constant 0 : index
    %swap3A_310 = arith.constant 0 : index
    %swap3A_311 = vector.load %arg20[%swap3A_309, %swap3A_310] : memref<1x64xf32, #tpu.memory_space<vmem>>, vector<1x64xf32>
    tpu.vector_store %arg20[%swap3A_309, %swap3A_310], %add3A_308 {strides = array<i32>} : memref<1x64xf32, #tpu.memory_space<vmem>>, vector<1x64xf32>,
    %get3A_312 = arith.constant 0 : index
    %get3A_313 = arith.constant 0 : index
    %get3A_314 = vector.load %arg21[%get3A_312, %get3A_313] : memref<1x64xf32, #tpu.memory_space<vmem>>, vector<1x64xf32>
    %exp3A_315 = math.exp %mul3A_300 : vector<512x64xf32>
    %reduce_sum3A_316 = arith.constant dense<0.000000e+00> : vector<64xf32>
    %reduce_sum3A_317 = vector.multi_reduction <add>, %exp3A_315, %reduce_sum3A_316 [0] : vector<512x64xf32> to vector<64xf32>
    %broadcast_in_dim3A_318 = vector.shape_cast %reduce_sum3A_317 : vector<64xf32> to vector<1x64xf32>
    %add3A_319 = arith.addf %get3A_314, %broadcast_in_dim3A_318 : vector<1x64xf32>
    %swap3A_320 = arith.constant 0 : index
    %swap3A_321 = arith.constant 0 : index
    %swap3A_322 = vector.load %arg21[%swap3A_320, %swap3A_321] : memref<1x64xf32, #tpu.memory_space<vmem>>, vector<1x64xf32>
    tpu.vector_store %arg21[%swap3A_320, %swap3A_321], %add3A_319 {strides = array<i32>} : memref<1x64xf32, #tpu.memory_space<vmem>>, vector<1x64xf32>,
    %iota3A_323 = tpu.iota {dimensions = array<i32: 0>} : vector<512x64xi32>
    %mul3A_324 = arith.constant 512 : i32
    %mul3A_325 = arith.muli %add3A_278, %mul3A_324 : i32
    %add3A_326 = vector.broadcast %mul3A_325 : i32 to vector<512x64xi32>
    %add3A_327 = arith.addi %iota3A_323, %add3A_326 : vector<512x64xi32>
    %get3A_328 = arith.constant 0 : index
    %get3A_329 = arith.constant 0 : index
    %get3A_330 = vector.load %arg2[%get3A_328, %get3A_329] : memref<1x64xi32, #tpu.memory_space<vmem>>, vector<1x64xi32>
    %eq3A_331 = vector.broadcast %get3A_330 : vector<1x64xi32> to vector<512x64xi32>
    %eq3A_332 = arith.cmpi eq, %add3A_327, %eq3A_331 : vector<512x64xi32>
    %get3A_333 = arith.constant 0 : index
    %get3A_334 = arith.constant 0 : index
    %get3A_335 = vector.load %arg22[%get3A_333, %get3A_334] : memref<1x64xf32, #tpu.memory_space<vmem>>, vector<1x64xf32>
    %jit3A_336 = arith.constant 0.000000e+00 : f32
    %broadcast_in_dim3A_337 = vector.broadcast %jit3A_336 : f32 to vector<512x64xf32>
    %select_n3A_338 = arith.select %eq3A_332, %mul3A_293, %broadcast_in_dim3A_337 : vector<512x64xi1>, vector<512x64xf32>
    %reduce_sum3A_339 = arith.constant dense<0.000000e+00> : vector<64xf32>
    %reduce_sum3A_340 = vector.multi_reduction <add>, %select_n3A_338, %reduce_sum3A_339 [0] : vector<512x64xf32> to vector<64xf32>
    %broadcast_in_dim3A_341 = vector.shape_cast %reduce_sum3A_340 : vector<64xf32> to vector<1x64xf32>
    %add3A_342 = arith.addf %get3A_335, %broadcast_in_dim3A_341 : vector<1x64xf32>
    %swap3A_343 = arith.constant 0 : index
    %swap3A_344 = arith.constant 0 : index
    %swap3A_345 = vector.load %arg22[%swap3A_343, %swap3A_344] : memref<1x64xf32, #tpu.memory_space<vmem>>, vector<1x64xf32>
    tpu.vector_store %arg22[%swap3A_343, %swap3A_344], %add3A_342 {strides = array<i32>} : memref<1x64xf32, #tpu.memory_space<vmem>>, vector<1x64xf32>,
    %get3A_346 = arith.constant 0 : index
    %get3A_347 = arith.constant 0 : index
    %get3A_348 = vector.load %arg23[%get3A_346, %get3A_347] : memref<1x64xf32, #tpu.memory_space<vmem>>, vector<1x64xf32>
    %jit3A_349 = arith.constant 0.000000e+00 : f32
    %broadcast_in_dim3A_350 = vector.broadcast %jit3A_349 : f32 to vector<512x64xf32>
    %select_n3A_351 = arith.select %eq3A_332, %mul3A_300, %broadcast_in_dim3A_350 : vector<512x64xi1>, vector<512x64xf32>
    %reduce_sum3A_352 = arith.constant dense<0.000000e+00> : vector<64xf32>
    %reduce_sum3A_353 = vector.multi_reduction <add>, %select_n3A_351, %reduce_sum3A_352 [0] : vector<512x64xf32> to vector<64xf32>
    %broadcast_in_dim3A_354 = vector.shape_cast %reduce_sum3A_353 : vector<64xf32> to vector<1x64xf32>
    %add3A_355 = arith.addf %get3A_348, %broadcast_in_dim3A_354 : vector<1x64xf32>
    %swap3A_356 = arith.constant 0 : index
    %swap3A_357 = arith.constant 0 : index
    %swap3A_358 = vector.load %arg23[%swap3A_356, %swap3A_357] : memref<1x64xf32, #tpu.memory_space<vmem>>, vector<1x64xf32>
    tpu.vector_store %arg23[%swap3A_356, %swap3A_357], %add3A_355 {strides = array<i32>} : memref<1x64xf32, #tpu.memory_space<vmem>>, vector<1x64xf32>,
    %mul3A_359 = arith.constant 512 : i32
    %mul3A_360 = arith.muli %add3A_278, %mul3A_359 : i32
    %dma_start3A_361 = arith.constant 0 : i32
    %dma_start3A_362 = tpu.memref_slice %arg5[%mul3A_360, %dma_start3A_361] : memref<16384x4096xf32, #tpu.memory_space<any>> -> memref<512x4096xf32, #tpu.memory_space<any>>
    tpu.enqueue_dma source(%arg11 : memref<512x4096xf32, #tpu.memory_space<vmem>>) target(%dma_start3A_362 : memref<512x4096xf32, #tpu.memory_space<any>>) target_semaphore(%arg19 : memref<!tpu.dma_semaphore, #tpu.memory_space<semaphore_mem>>)
    %add3A_363 = arith.constant 2 : i32
    %add3A_364 = arith.addi %add3A_278, %add3A_363 : i32
    %lt3A_365 = arith.constant 32 : i32
    %lt3A_366 = arith.cmpi slt, %add3A_364, %lt3A_365 : i32
    %convert_element_type3A_367 = arith.extui %lt3A_366 : i1 to i32
    %cond3A_368 = arith.constant 0 : i32
    %cond3A_369 = arith.cmpi ne, %convert_element_type3A_367, %cond3A_368 : i32
    scf.if %cond3A_369 {
      %ge3A = arith.constant 4 : i32
      %ge3A_375 = arith.cmpi sge, %add3A_364, %ge3A : i32
      %convert_element_type3A_376 = arith.extui %ge3A_375 : i1 to i32
      %cond3A_377 = arith.constant 0 : i32
      %cond3A_378 = arith.cmpi ne, %convert_element_type3A_376, %cond3A_377 : i32
      scf.if %cond3A_378 {
        %sub3A = arith.constant 4 : i32
        %sub3A_383 = arith.subi %add3A_364, %sub3A : i32
        %mul3A_384 = arith.constant 512 : i32
        %mul3A_385 = arith.muli %sub3A_383, %mul3A_384 : i32
        %dma_wait3A_386 = arith.constant 0 : i32
        %dma_wait3A_387 = tpu.memref_slice %arg5[%mul3A_385, %dma_wait3A_386] : memref<16384x4096xf32, #tpu.memory_space<any>> -> memref<512x4096xf32, #tpu.memory_space<any>>
        tpu.wait_dma2 semaphore(%arg17 : memref<!tpu.dma_semaphore, #tpu.memory_space<semaphore_mem>>) src(%arg9 : memref<512x4096xf32, #tpu.memory_space<vmem>>) dst(%dma_wait3A_387 : memref<512x4096xf32, #tpu.memory_space<any>>)
      } else {
      }
      %mul3A_379 = arith.constant 512 : i32
      %mul3A_380 = arith.muli %add3A_364, %mul3A_379 : i32
      %dma_start3A_381 = arith.constant 0 : i32
      %dma_start3A_382 = tpu.memref_slice %arg4[%mul3A_380, %dma_start3A_381] : memref<16384x4096xf32, #tpu.memory_space<any>> -> memref<512x4096xf32, #tpu.memory_space<any>>
      tpu.enqueue_dma source(%dma_start3A_382 : memref<512x4096xf32, #tpu.memory_space<any>>) target(%arg9 : memref<512x4096xf32, #tpu.memory_space<vmem>>) target_semaphore(%arg13 : memref<!tpu.dma_semaphore, #tpu.memory_space<semaphore_mem>>)
    } else {
    }
    %eq3A_370 = arith.constant 7 : i32
    %eq3A_371 = arith.cmpi eq, %arg0, %eq3A_370 : i32
    %convert_element_type3A_372 = arith.extui %eq3A_371 : i1 to i32
    %cond3A_373 = arith.constant 0 : i32
    %cond3A_374 = arith.cmpi ne, %convert_element_type3A_372, %cond3A_373 : i32
    scf.if %cond3A_374 {
      %dma_wait3A_375 = arith.constant 14336 : i32
      %dma_wait3A_376 = arith.constant 0 : i32
      %dma_wait3A_377 = tpu.memref_slice %arg5[%dma_wait3A_375, %dma_wait3A_376] : memref<16384x4096xf32, #tpu.memory_space<any>> -> memref<512x4096xf32, #tpu.memory_space<any>>
      tpu.wait_dma2 semaphore(%arg16 : memref<!tpu.dma_semaphore, #tpu.memory_space<semaphore_mem>>) src(%arg8 : memref<512x4096xf32, #tpu.memory_space<vmem>>) dst(%dma_wait3A_377 : memref<512x4096xf32, #tpu.memory_space<any>>)
      %dma_wait3A_378 = arith.constant 14848 : i32
      %dma_wait3A_379 = arith.constant 0 : i32
      %dma_wait3A_380 = tpu.memref_slice %arg5[%dma_wait3A_378, %dma_wait3A_379] : memref<16384x4096xf32, #tpu.memory_space<any>> -> memref<512x4096xf32, #tpu.memory_space<any>>
      tpu.wait_dma2 semaphore(%arg17 : memref<!tpu.dma_semaphore, #tpu.memory_space<semaphore_mem>>) src(%arg9 : memref<512x4096xf32, #tpu.memory_space<vmem>>) dst(%dma_wait3A_380 : memref<512x4096xf32, #tpu.memory_space<any>>)
      %dma_wait3A_381 = arith.constant 15360 : i32
      %dma_wait3A_382 = arith.constant 0 : i32
      %dma_wait3A_383 = tpu.memref_slice %arg5[%dma_wait3A_381, %dma_wait3A_382] : memref<16384x4096xf32, #tpu.memory_space<any>> -> memref<512x4096xf32, #tpu.memory_space<any>>
      tpu.wait_dma2 semaphore(%arg18 : memref<!tpu.dma_semaphore, #tpu.memory_space<semaphore_mem>>) src(%arg10 : memref<512x4096xf32, #tpu.memory_space<vmem>>) dst(%dma_wait3A_383 : memref<512x4096xf32, #tpu.memory_space<any>>)
      %dma_wait3A_384 = arith.constant 15872 : i32
      %dma_wait3A_385 = arith.constant 0 : i32
      %dma_wait3A_386 = tpu.memref_slice %arg5[%dma_wait3A_384, %dma_wait3A_385] : memref<16384x4096xf32, #tpu.memory_space<any>> -> memref<512x4096xf32, #tpu.memory_space<any>>
      tpu.wait_dma2 semaphore(%arg19 : memref<!tpu.dma_semaphore, #tpu.memory_space<semaphore_mem>>) src(%arg11 : memref<512x4096xf32, #tpu.memory_space<vmem>>) dst(%dma_wait3A_386 : memref<512x4096xf32, #tpu.memory_space<any>>)
      %get3A_387 = arith.constant 0 : index
      %get3A_388 = arith.constant 0 : index
      %get3A_389 = vector.load %arg20[%get3A_387, %get3A_388] : memref<1x64xf32, #tpu.memory_space<vmem>>, vector<1x64xf32>
      %log3A = math.log %get3A_389 : vector<1x64xf32>
      %get3A_390 = arith.constant 0 : index
      %get3A_391 = arith.constant 0 : index
      %get3A_392 = vector.load %arg22[%get3A_390, %get3A_391] : memref<1x64xf32, #tpu.memory_space<vmem>>, vector<1x64xf32>
      %sub3A = arith.subf %log3A, %get3A_392 : vector<1x64xf32>
      %get3A_393 = arith.constant 0 : index
      %get3A_394 = arith.constant 0 : index
      %get3A_395 = vector.load %arg21[%get3A_393, %get3A_394] : memref<1x64xf32, #tpu.memory_space<vmem>>, vector<1x64xf32>
      %log3A_396 = math.log %get3A_395 : vector<1x64xf32>
      %get3A_397 = arith.constant 0 : index
      %get3A_398 = arith.constant 0 : index
      %get3A_399 = vector.load %arg23[%get3A_397, %get3A_398] : memref<1x64xf32, #tpu.memory_space<vmem>>, vector<1x64xf32>
      %sub3A_400 = arith.subf %log3A_396, %get3A_399 : vector<1x64xf32>
      %add3A_401 = arith.addf %sub3A, %sub3A_400 : vector<1x64xf32>
      %reduce_sum3A_402 = vector.shape_cast %add3A_401 : vector<1x64xf32> to vector<1x1x64xf32>
      %reduce_sum3A_403 = arith.constant dense<0.000000e+00> : vector<1xf32>
      %reduce_sum3A_404 = vector.multi_reduction <add>, %reduce_sum3A_402, %reduce_sum3A_403 [1, 2] : vector<1x1x64xf32> to vector<1xf32>
      %reduce_sum3A_405 = vector.shape_cast %reduce_sum3A_404 : vector<1xf32> to vector<1x1x1xf32>
      %reduce_sum3A_406 = vector.extract %reduce_sum3A_405[0, 0, 0] : f32 from vector<1x1x1xf32>
      %mul3A_407 = arith.constant 6.000000e-01 : f32
      %mul3A_408 = arith.mulf %mul3A_407, %reduce_sum3A_406 : f32
      %mul3A_409 = arith.constant 1.562500e-02 : f32
      %mul3A_410 = arith.mulf %mul3A_408, %mul3A_409 : f32
      %reshape3A = vector.broadcast %mul3A_410 : f32 to vector<1x1xf32>
      %swap3A_411 = arith.constant 0 : index
      %swap3A_412 = arith.constant 0 : index
      %swap3A_413 = vector.load %arg6[%swap3A_411, %swap3A_412] : memref<1x1xf32, #tpu.memory_space<vmem>>, vector<1x1xf32>
      tpu.vector_store %arg6[%swap3A_411, %swap3A_412], %reshape3A {strides = array<i32>} : memref<1x1xf32, #tpu.memory_space<vmem>>, vector<1x1xf32>,
    } else {
    }
    return
  }
  func.func @transform_0(%arg0: i32) -> (i32, i32) {
    %c0_i32 = arith.constant 0 : i32
    %c0_i32_0 = arith.constant 0 : i32
    %c0_i32_1 = arith.constant 0 : i32
    return %c0_i32, %c0_i32_0 : i32, i32
  }
  func.func @transform_1(%arg0: i32) -> (i32, i32) {
    %c0_i32 = arith.constant 0 : i32
    %c0_i32_0 = arith.constant 0 : i32
    %c0_i32_1 = arith.constant 0 : i32
    return %c0_i32, %c0_i32_0 : i32, i32
  }
  func.func @transform_2(%arg0: i32) -> (i32, i32) {
    %c0_i32 = arith.constant 0 : i32
    %c0_i32_0 = arith.constant 0 : i32
    %c0_i32_1 = arith.constant 0 : i32
    return %c0_i32, %c0_i32_0 : i32, i32
  }
  func.func @transform_5(%arg0: i32) -> (i32, i32) {
    %c0_i32 = arith.constant 0 : i32
    %c0_i32_0 = arith.constant 0 : i32
    %c0_i32_1 = arith.constant 0 : i32
    return %c0_i32, %c0_i32_0 : i32, i32
  }
  func.func @transform_6(%arg0: i32) -> (i32, i32) {
    %c0_i32 = arith.constant 0 : i32
    %c0_i32_0 = arith.constant 0 : i32
    %c0_i32_1 = arith.constant 0 : i32
    return %c0_i32, %c0_i32_0 : i32, i32
  }
}

module attributes {stable_mosaic.version = 14 : i64} {
  func.func @_fixup_body(%arg0: memref<64xi32, #tpu.memory_space<smem>>, %arg1: memref<1x64xi32, #tpu.memory_space<smem>>, %arg2: memref<64x4096xf32, #tpu.memory_space<vmem>>, %arg3: memref<64x4096xf32, #tpu.memory_space<vmem>>, %arg4: memref<16384x4096xf32, #tpu.memory_space<any>>, %arg5: memref<16384x4096xf32, #tpu.memory_space<any>>, %arg6: memref<64x4096xf32, #tpu.memory_space<vmem>>, %arg7: memref<!tpu.dma_semaphore, #tpu.memory_space<semaphore_mem>>) attributes {dimension_semantics = [], scalar_prefetch = 0 : i64, scratch_operands = 2 : i64, tpu.core_type = #tpu.core_type<tc>} {
    %get3A = arith.constant 0 : index
    %get3A_0 = arith.constant 0 : index
    %get3A_1 = vector.load %arg2[%get3A, %get3A_0] : memref<64x4096xf32, #tpu.memory_space<vmem>>, vector<64x4096xf32>
    %get3A_2 = arith.constant 0 : index
    %get3A_3 = arith.constant 0 : index
    %get3A_4 = vector.load %arg3[%get3A_2, %get3A_3] : memref<64x4096xf32, #tpu.memory_space<vmem>>, vector<64x4096xf32>
    %mul3A = arith.constant 0.00999999977 : f32
    %mul3A_5 = vector.broadcast %mul3A : f32 to vector<64x4096xf32>
    %mul3A_6 = arith.mulf %mul3A_5, %get3A_1 : vector<64x4096xf32>
    %mul3A_7 = arith.constant 9.900000e-01 : f32
    %mul3A_8 = vector.broadcast %mul3A_7 : f32 to vector<64x4096xf32>
    %mul3A_9 = arith.mulf %mul3A_8, %get3A_4 : vector<64x4096xf32>
    %add3A = arith.addf %mul3A_6, %mul3A_9 : vector<64x4096xf32>
    %slice3A = vector.extract_strided_slice %add3A {offsets = [0, 0], sizes = [64, 2048], strides = [1, 1]} : vector<64x4096xf32> to vector<64x2048xf32>
    %slice3A_10 = vector.extract_strided_slice %add3A {offsets = [0, 2048], sizes = [64, 2048], strides = [1, 1]} : vector<64x4096xf32> to vector<64x2048xf32>
    %mul3A_11 = arith.mulf %slice3A, %slice3A : vector<64x2048xf32>
    %reduce_sum3A = arith.constant dense<0.000000e+00> : vector<64xf32>
    %reduce_sum3A_12 = vector.multi_reduction <add>, %mul3A_11, %reduce_sum3A [1] : vector<64x2048xf32> to vector<64xf32>
    %broadcast_in_dim3A = vector.shape_cast %reduce_sum3A_12 : vector<64xf32> to vector<64x1xf32>
    %sqrt3A = math.sqrt %broadcast_in_dim3A : vector<64x1xf32>
    %add3A_13 = arith.constant 9.99999996E-13 : f32
    %add3A_14 = vector.broadcast %add3A_13 : f32 to vector<64x1xf32>
    %add3A_15 = arith.addf %sqrt3A, %add3A_14 : vector<64x1xf32>
    %mul3A_16 = arith.mulf %slice3A_10, %slice3A_10 : vector<64x2048xf32>
    %reduce_sum3A_17 = arith.constant dense<0.000000e+00> : vector<64xf32>
    %reduce_sum3A_18 = vector.multi_reduction <add>, %mul3A_16, %reduce_sum3A_17 [1] : vector<64x2048xf32> to vector<64xf32>
    %broadcast_in_dim3A_19 = vector.shape_cast %reduce_sum3A_18 : vector<64xf32> to vector<64x1xf32>
    %sqrt3A_20 = math.sqrt %broadcast_in_dim3A_19 : vector<64x1xf32>
    %add3A_21 = arith.constant 9.99999996E-13 : f32
    %add3A_22 = vector.broadcast %add3A_21 : f32 to vector<64x1xf32>
    %add3A_23 = arith.addf %sqrt3A_20, %add3A_22 : vector<64x1xf32>
    %div3A = vector.broadcast %add3A_15 : vector<64x1xf32> to vector<64x2048xf32>
    %div3A_24 = arith.divf %slice3A, %div3A : vector<64x2048xf32>
    %swap3A = arith.constant 0 : index
    %swap3A_25 = arith.constant 0 : index
    %swap3A_26 = vector.load %arg6[%swap3A, %swap3A_25] : memref<64x4096xf32, #tpu.memory_space<vmem>>, vector<64x2048xf32>
    tpu.vector_store %arg6[%swap3A, %swap3A_25], %div3A_24 {strides = array<i32>} : memref<64x4096xf32, #tpu.memory_space<vmem>>, vector<64x2048xf32>,
    %div3A_27 = vector.broadcast %add3A_23 : vector<64x1xf32> to vector<64x2048xf32>
    %div3A_28 = arith.divf %slice3A_10, %div3A_27 : vector<64x2048xf32>
    %swap3A_29 = arith.constant 0 : index
    %swap3A_30 = arith.constant 2048 : index
    %swap3A_31 = vector.load %arg6[%swap3A_29, %swap3A_30] : memref<64x4096xf32, #tpu.memory_space<vmem>>, vector<64x2048xf32>
    tpu.vector_store %arg6[%swap3A_29, %swap3A_30], %div3A_28 {strides = array<i32>} : memref<64x4096xf32, #tpu.memory_space<vmem>>, vector<64x2048xf32>,
    %scan3A = arith.constant 0 : i32
    %scan3A_32 = arith.constant 64 : i32
    %scan3A_33 = arith.addi %scan3A, %scan3A_32 : i32
    %scan3A_34 = arith.constant 1 : i32
    scf.for %scan3A_41 = %scan3A to %scan3A_33 step %scan3A_34  : i32 {
      %get3A_42 = arith.constant 0 : index
      %get3A_43 = arith.index_cast %scan3A_41 : i32 to index
      %get3A_44 = memref.load %arg1[%get3A_42, %get3A_43] : memref<1x64xi32, #tpu.memory_space<smem>>
      %gt3A = arith.constant 0 : i32
      %gt3A_45 = arith.cmpi sgt, %get3A_44, %gt3A : i32
      %convert_element_type3A = arith.extui %gt3A_45 : i1 to i32
      %cond3A = arith.constant 0 : i32
      %cond3A_46 = arith.cmpi ne, %convert_element_type3A, %cond3A : i32
      scf.if %cond3A_46 {
        %get3A_47 = arith.index_cast %scan3A_41 : i32 to index
        %get3A_48 = memref.load %arg0[%get3A_47] : memref<64xi32, #tpu.memory_space<smem>>
        %dma_start3A = arith.constant 0 : i32
        %dma_start3A_49 = tpu.memref_slice %arg5[%get3A_48, %dma_start3A] : memref<16384x4096xf32, #tpu.memory_space<any>> -> memref<1x4096xf32, #tpu.memory_space<any>>
        %dma_start3A_50 = arith.constant 0 : i32
        %dma_start3A_51 = tpu.memref_slice %arg6[%scan3A_41, %dma_start3A_50] : memref<64x4096xf32, #tpu.memory_space<vmem>> -> memref<1x4096xf32, #tpu.memory_space<vmem>>
        tpu.enqueue_dma source(%dma_start3A_51 : memref<1x4096xf32, #tpu.memory_space<vmem>>) target(%dma_start3A_49 : memref<1x4096xf32, #tpu.memory_space<any>>) target_semaphore(%arg7 : memref<!tpu.dma_semaphore, #tpu.memory_space<semaphore_mem>>)
      } else {
      }
    }
    %scan3A_35 = arith.constant 64 : i32
    %scan3A_36 = arith.constant 0 : i32
    %scan3A_37 = arith.constant 64 : i32
    %scan3A_38 = arith.addi %scan3A_36, %scan3A_37 : i32
    %scan3A_39 = arith.constant 1 : i32
    scf.for %scan3A_41 = %scan3A_36 to %scan3A_38 step %scan3A_39  : i32 {
      %get3A_42 = arith.constant 0 : index
      %get3A_43 = arith.index_cast %scan3A_41 : i32 to index
      %get3A_44 = memref.load %arg1[%get3A_42, %get3A_43] : memref<1x64xi32, #tpu.memory_space<smem>>
      %gt3A = arith.constant 0 : i32
      %gt3A_45 = arith.cmpi sgt, %get3A_44, %gt3A : i32
      %convert_element_type3A = arith.extui %gt3A_45 : i1 to i32
      %cond3A = arith.constant 0 : i32
      %cond3A_46 = arith.cmpi ne, %convert_element_type3A, %cond3A : i32
      scf.if %cond3A_46 {
        %dma_wait3A = arith.constant 0 : i32
        %dma_wait3A_47 = arith.constant 0 : i32
        %dma_wait3A_48 = tpu.memref_slice %arg5[%dma_wait3A, %dma_wait3A_47] : memref<16384x4096xf32, #tpu.memory_space<any>> -> memref<1x4096xf32, #tpu.memory_space<any>>
        %dma_wait3A_49 = arith.constant 0 : i32
        %dma_wait3A_50 = arith.constant 0 : i32
        %dma_wait3A_51 = tpu.memref_slice %arg6[%dma_wait3A_49, %dma_wait3A_50] : memref<64x4096xf32, #tpu.memory_space<vmem>> -> memref<1x4096xf32, #tpu.memory_space<vmem>>
        tpu.wait_dma2 semaphore(%arg7 : memref<!tpu.dma_semaphore, #tpu.memory_space<semaphore_mem>>) src(%dma_wait3A_51 : memref<1x4096xf32, #tpu.memory_space<vmem>>) dst(%dma_wait3A_48 : memref<1x4096xf32, #tpu.memory_space<any>>)
      } else {
      }
    }
    %scan3A_40 = arith.constant 64 : i32
    return
  }
}

</mosaic_0001>

<sc_bundles>
// kernel: kernel.5.cloned.1.call-start
scs
__scs_entry_jumppad:
0x0: {  	(pc) =	sbr.rel $0x88, $3  }
0x1: {  	(tag) =	ssettag $0x0;
	lr =	simm.s32 $0x1  }
0x2: {  	[smem:$0x3F9E] =	sst lr;
	_ =	strace $0xD0000000  }
0x3: {  	_ = 	snop  }
0x4: {  	_ = 	snop  }
0x5: {  	_ = 	snop  }
0x6: {  	_ = 	snop  }
0x7: {  	_ = 	snop  }
__scs_overlays_trampoline_lowered:
0x8: {  	[smem:$0x3FAD] =	sst s0  }
0x9: {  	[smem:$0x3FAE] =	sst s1  }
0xa: {  	[smem:$0x3FAF] =	sst s2  }
0xb: {  	[smem:$0x3FB0] =	sst s3  }
0xc: {  	[smem:$0x3FB1] =	sst s4  }
0xd: {  	[smem:$0x3FB2] =	sst s5  }
0xe: {  	[smem:$0x3FB3] =	sst s6  }
0xf: {  	[smem:$0x3FB4] =	sst s7  }
0x10: {  	[smem:$0x3FB5] =	sst s8  }
0x11: {  	[smem:$0x3FB6] =	sst s9;
	s0 =	simm.s32 @!p0 $0x0  }
0x12: {  	s1 =	sld [smem:$0x3F9C];
	s0 =	simm.s32 @p0 $0x1  }
0x13: {  	[smem:$0x3FB7] =	sst s0;
	s0 =	simm.s32 @!p1 $0x0  }
0x14: {  	s2 =	sld [smem:$0x3F9B];
	s0 =	simm.s32 @p1 $0x1  }
0x15: {  	[smem:$0x3FB8] =	sst s0;
	s0 =	simm.s32 @!p2 $0x0  }
0x16: {  	s3 =	sld [smem:$0x3FDB];
	s0 =	simm.s32 @p2 $0x1  }
0x17: {  	s4 =	simm.s32 $0x1BF5;
	[smem:$0x3FBA] =	sst s0  }
0x18: {  	s0 =	sld [smem:$0x3F9D];
	_ =	swait.ge [sflag:s4], $0x0  }
0x19: {  	s7 =	sld [smem:$0x3F9E]  }
0x1a: {  	s8 =	sadd.s32 $0xFFFFE003, lr  }
0x1b: {  	s9 =	sadd.s32 $0xFFFFFEF7, lr;
	s5 =	simm.s32 $0xFFFFFFFF;
	p2 =	slt.u32 s8, $0xFFFFF086  }
0x1c: {  	p1 =	slt.u32 s9, $0xF7A;
	s5 =	simm.s32 @!p2 $0x0  }
0x1d: {  	s5 =	simm.s32 @p1 $0x1;
	p0 =	seq.s32 s7, s2  }
0x1e: {  	s7 =	smul.u32 @!p0 $0xF7A, s2;
	p2 =	seq.s32 @!p0 s5, $0x0  }
0x1f: {  	s9 =	smul.u32 $0xF7A, s1;
	s8 =	simm.s32 @!p0 $0x1BF5;
	p2 =	por !p2, p0  }
0x20: {  	[sflag:s8] =	ssyncset.s32 @!p0 $0xFFFFF086;
	s6 =	sadd.s32 @!p0 s3, s7;
	s7 =	simm.s32 @!p0 $0x108  }
0x21: {  	s3 =	sadd.s32 s3, s9;
	s6 =	sadd.s32 @!p0 $0x88, s6;
	s7 =	simm.s32 @p2 $0x1082  }
0x22: {  	[simem:s7], [sflag:s8] =	dma.local @!p0 [hbm:s6], $0xF7A  }
0x23: {  	s9 =	sor.u32 $0xD0000000, s2;
	s6 =	simm.s32 $0x108;
	_ =	swait.ge @!p0 [sflag:s8], $0x0  }
0x24: {  	s3 =	sadd.s32 $0x88, s3;
	s6 =	simm.s32 @!p1 $0x1082;
	[sflag:s4] =	ssyncset.s32 $0xFFFFF086  }
0x25: {  	[simem:s6], [sflag:s4] =	dma.local [hbm:s3], $0xF7A  }
0x26: {  	[smem:$0x3F9E] =	sst s1;
	(tag) =	ssettag s2;
	_ =	strace s9  }
0x27: {  	s1 =	sld [smem:$0x3FAE]  }
0x28: {  	s2 =	sld [smem:$0x3FAF]  }
0x29: {  	s4 =	sld [smem:$0x3FB1]  }
0x2a: {  	p0 =	seq.s32 s5, $0x0;
	s5 =	sld [smem:$0x3FB2]  }
0x2b: {  	s6 =	sld [smem:$0x3FB3]  }
0x2c: {  	s7 =	sld [smem:$0x3FB4]  }
0x2d: {  	s3 =	simm.s32 $0x108;
	s8 =	sld [smem:$0x3FB5]  }
0x2e: {  	s3 =	simm.s32 @!p0 $0x1082;
	s9 =	sld [smem:$0x3FB6]  }
0x2f: {  	lr =	sadd.s32 s0, s3;
	s0 =	sld [smem:$0x3FAD]  }
0x30: {  	s3 =	sld [smem:$0x3FB0]  }
0x31: {  	[smem:$0x3FB9] =	sst s10  }
0x32: {  	s10 =	sld [smem:$0x3FB7];
	_ =	sdelay $0x3  }
0x33: {  	p0 =	seq.s32 s10, $0x1;
	s10 =	sld [smem:$0x3FB9];
	_ =	sdelay $0x3  }
0x34: {  	[smem:$0x3FB9] =	sst s10  }
0x35: {  	s10 =	sld [smem:$0x3FB8];
	_ =	sdelay $0x3  }
0x36: {  	p1 =	seq.s32 s10, $0x1;
	s10 =	sld [smem:$0x3FB9];
	_ =	sdelay $0x3  }
0x37: {  	[smem:$0x3FB9] =	sst s10  }
0x38: {  	s10 =	sld [smem:$0x3FBA]  }
0x39: {  	_ = 	snop;
	(pc) =	sbr.ind lr, $3  }
0x3a: {  	_ = 	snop  }
0x3b: {  	_ = 	snop  }
0x3c: {  	p2 =	seq.s32 s10, $0x1;
	s10 =	sld [smem:$0x3FB9]  }
0x3d: {  	_ =	shalt  }
0x3e: {  	_ =	shalt  }
0x3f: {  	_ =	shalt  }
0x40: {  	_ =	shalt  }
0x41: {  	_ =	shalt  }
0x42: {  	_ =	shalt  }
0x43: {  	_ =	shalt  }
0x44: {  	_ =	shalt  }
0x45: {  	_ =	shalt  }
0x46: {  	_ =	shalt  }
0x47: {  	_ =	shalt  }
0x48: {  	_ =	shalt  }
0x49: {  	_ =	shalt  }
0x4a: {  	_ =	shalt  }
0x4b: {  	_ =	shalt  }
0x4c: {  	_ =	shalt  }
0x4d: {  	_ =	shalt  }
0x4e: {  	_ =	shalt  }
0x4f: {  	_ =	shalt  }
0x50: {  	_ =	shalt  }
0x51: {  	_ =	shalt  }
0x52: {  	_ =	shalt  }
0x53: {  	_ =	shalt  }
0x54: {  	_ =	shalt  }
0x55: {  	_ =	shalt  }
0x56: {  	_ =	shalt  }
0x57: {  	_ =	shalt  }
0x58: {  	_ =	shalt  }
0x59: {  	_ =	shalt  }
0x5a: {  	_ =	shalt  }
0x5b: {  	_ =	shalt  }
0x5c: {  	_ =	shalt  }
0x5d: {  	_ =	shalt  }
0x5e: {  	_ =	shalt  }
0x5f: {  	_ =	shalt  }
0x60: {  	_ =	shalt  }
0x61: {  	_ =	shalt  }
0x62: {  	_ =	shalt  }
0x63: {  	_ =	shalt  }
0x64: {  	_ =	shalt  }
0x65: {  	_ =	shalt  }
0x66: {  	_ =	shalt  }
0x67: {  	_ =	shalt  }
0x68: {  	_ =	shalt  }
0x69: {  	_ =	shalt  }
0x6a: {  	_ =	shalt  }
0x6b: {  	_ =	shalt  }
0x6c: {  	_ =	shalt  }
0x6d: {  	_ =	shalt  }
0x6e: {  	_ =	shalt  }
0x6f: {  	_ =	shalt  }
0x70: {  	_ =	shalt  }
0x71: {  	_ =	shalt  }
0x72: {  	_ =	shalt  }
0x73: {  	_ =	shalt  }
0x74: {  	_ =	shalt  }
0x75: {  	_ =	shalt  }
0x76: {  	_ =	shalt  }
0x77: {  	_ =	shalt  }
0x78: {  	_ =	shalt  }
0x79: {  	_ =	shalt  }
0x7a: {  	_ =	shalt  }
0x7b: {  	_ =	shalt  }
0x7c: {  	_ =	shalt  }
0x7d: {  	_ =	shalt  }
0x7e: {  	_ =	shalt  }
0x7f: {  	_ =	shalt  }
0x80: {  	_ =	shalt  }
0x81: {  	_ =	shalt  }
0x82: {  	_ =	shalt  }
0x83: {  	_ =	shalt  }
0x84: {  	_ =	shalt  }
0x85: {  	_ =	shalt  }
0x86: {  	_ =	shalt  }
0x87: {  	_ =	shalt  }
.Lfunc_end0:
.L_simem_size_0:
called_computation_lowered:
.L_overlay_start_0:
0x88: {  	s0 =	sld [smem:$0x3FD9]  }
0x89: {  	s1 =	sld [smem:$0x3FFE];
	_ =	sdelay $0x3  }
0x8a: {  	s0 =	sadd.s32 s1, s0  }
0x8b: {  	[smem:$0x3FC5] =	sst s0  }
0x8c: {  	_ = 	snop  }
0x8d: {  	s0 =	sld [smem:$0x3FC8];
	(tm) =	ssettm $0x1  }
0x8e: {  	s16 =	sld [smem:$0x3FFB];
	_ =	sdelay $0x3  }
0x8f: {  	_ =	strace s16  }
0x90: {  	s1 =	sld [smem:$0x3FFC];
	_ =	sdelay $0x3  }
0x91: {  	_ =	strace s1  }
0x92: {  	s1 =	sld [smem:$0x3FFD];
	_ =	sdelay $0x3  }
0x93: {  	_ =	strace s1  }
0x94: {  	_ =	strace $0x8FFFFFFF  }
0x95: {  	s17 =	sld [smem:$0x3FDB];
	_ =	sdelay $0x1  }
0x96: {  	s2 =	simm.s32 $_scs_section_size  }
0x97: {  	s3 =	simm.s32 $_size__tile_overlayer_lowered;
	s4 =	simm.s32 $_tile_overlayer_lowered  }
0x98: {  	s20 =	simm.s32 $0x1BFF;
	s19 =	sshll.u32 s4, $0x1;
	s1 =	sadd.s32 s2, s17  }
0x99: {  	s5 =	simm.s32 $0x0;
	s18 =	sshll.u32 s3, $0x1;
	s3 =	sadd.s32 s19, s1  }
0x9a: {  	[timem:s5], [sflag:s20] =	dma.local [hbm:s3], s18  }
0x9b: {  	_ =	swait.ge [sflag:s20], s18  }
0x9c: {  	s2 =	ssub.s32 $0x0, s18;
	[sflag:s20] =	ssyncset.done $0x0  }
0x9d: {  	[sflag:s20] =	ssyncadd.s32 s2;
	_ =	sdelay $0x1  }
0x9e: {  	s21 =	simm.s32 $0x1B8B  }
0x9f: {  	_ =	swait.ge [sflag:s21], $0x1  }
0xa0: {  	[sflag:s21] =	ssyncset.done $0x0  }
0xa1: {  	s23 =	simm.s32 $0x1B8E;
	s22 =	sld [smem:$0x3FFE];
	[sflag:s21] =	ssyncadd.s32 $0xFFFFFFFF  }
0xa2: {  	s24 =	simm.s32 $execute0_lowered;
	[smem:$0x3FD2] =	sst s23  }
0xa3: {  	s3 =	sshll.u32 s24, $0x1;
	_ =	strace $0x80000046;
	[dreg:$0x1] =	wrdreg $0xFFFFFFFF  }
0xa4: {  	s25 =	simm.s32 $_size_execute0_lowered;
	s1 =	sadd.s32 s1, s3;
	[dreg:$0x0] =	wrdreg $0x0  }
0xa5: {  	s3 =	sshll.u32 s25, $0x1;
	[dreg:$0x2] =	wrdreg s1  }
0xa6: {  	[dreg:$0x3] =	wrdreg s3  }
0xa7: {  	[dreg:$0x4] =	wrdreg $0xC0  }
0xa8: {  	_ =	task [dreg:s5], $0x5FFFF  }
0xa9: {  	[dreg:$0x1] =	wrdreg $0xFFFFFFFF  }
0xaa: {  	[dreg:$0x0] =	wrdreg $0x60  }
0xab: {  	[dreg:$0x2] =	wrdreg s0  }
0xac: {  	[dreg:$0x3] =	wrdreg s22  }
0xad: {  	[dreg:$0x4] =	wrdreg $0x9  }
0xae: {  	_ =	task.clear_ibuf [dreg:s5], $0x5FFFF;
	_ =	strace $0x90000046  }
0xaf: {  	s26 =	simm.s32 $0x9;
	_ =	strace $0x80000048  }
0xb0: {  	_ =	swait.ge [sflag:s26], $0x1  }
0xb1: {  	[sflag:s26] =	ssyncadd.s32 $0xFFFFFFFF  }
0xb2: {  	_ =	strace $0x90000048  }
0xb3: {  	_ =	sfence  }
0xb4: {  	s28 =	sld [smem:$0x0];
	_ =	sdelay $0x1  }
0xb5: {  	s29 =	srdreg.scid  }
0xb6: {  	s30 =	sshll.u32 s29, $0xD;
	s31 =	sshrl.u32 s29, $0x2  }
0xb7: {  	s2 =	sand.u32 $0x4000, s30;
	s1 =	sand.u32 $0x1, s29;
	s0 =	sadd.s32 s31, s28  }
0xb8: {  	s1 =	sor.u32 s2, s1;
	s0 =	sshll.u32 s0, $0x11  }
0xb9: {  	s0 =	sor.u32 s0, s1  }
0xba: {  	s0 =	sadd.s32 $0x8F2B, s0  }
0xbb: {  	[sflag:s0] =	ssyncadd.remote.s32 $0x1  }
0xbc: {  	_ =	sfence.sel $0xFFFF  }
0xbd: {  	[dreg:$0x0] =	wrdreg $0xFFFFFFFF;
	(pc) =	sbr.abs _section_cstart, $3  }
0xbe: {  	[dreg:$0x1] =	wrdreg $0xFFFFFFFF  }
0xbf: {  	_ =	task.clear_ibuf [dreg:s5], $0x2FFFF;
	_ =	strace $0x9FFFFFFF  }
0xc0: {  	(tm) =	ssettm $0x7FFFFFFF  }
0xc1: {  	_ =	shalt  }
tec
execute0_lowered:
.L_overlay_start_1:
0x0: {  	(tag) =	ssettag $0x1  }
0x1: {  	s1 =	rddreg [dreg:$0x0]  }
0x2: {  	s2 =	rddreg [dreg:$0x1];
	s3 =	stileid.u32  }
0x3: {  	s0 =	rddreg [dreg:$0x2];
	s4 =	simm.s32 $0x0;
	s5 =	sshll.u32 s3, $0x4  }
0x4: {  	[smem:$0x7FF] =	sst s4;
	s5 =	sadd.s32 s5, s2  }
0x5: {  	s17 =	simm.s32 $0x2;
	_ =	strace $0x80000047;
	s5 =	sadd.s32 $0xC00, s5  }
0x6: {  	[tilespmem:s4], [sflag:$0x2] =	stream.linear.gather [hbm4b:s5+s4], $0x4, $0x38;
	[tilespmem:$0x4080] =	vst v63  }
0x7: {  	_ =	swait.ge [sflag:s17], $0x4  }
0x8: {  	[sflag:s17] =	ssyncset.done $0x0  }
0x9: {  	[sflag:s17] =	ssyncadd.s32 $0xFFFFFFFC  }
0xa: {  	v0 =	vld.msk [tilespmem:$0x0], $0xf;
	_ =	sdelay $0x4  }
0xb: {  	v1 =	vshll.u32 v0, $0x5  }
0xc: {  	v2 =	vlaneseq.u32;
	v0 =	vand.u32 $0x7, v0;
	v1 =	vand.u32 $0xFFFFFF00, v1  }
0xd: {  	v62 =	vand.u32 $0x3, v2;
	v2 =	vshrl.u32 v2, $0x2;
	v0 =	vor.u32 v0, v1  }
0xe: {  	v63 =	vmul.u32 $0x8, v2;
	v0 =	vperm.xlane v0, v62;
	_ =	sdelay $0x1  }
0xf: {  	v0 =	vadd.s32 v63, v0;
	_ =	sdelay $0x3  }
0x10: {  	vm0 =	vmmov $0xffff;
	s6 =	simm.s32 $0x80  }
0x11: {  	[tilespmem:s6], [sflag:$0x1] =	stream.indirect_vreg.gather [hbm4b:s1+s4], $0x80, v0, vm0, $0xb8;
	[tilespmem:$0x4080] =	vst v63  }
0x12: {  	s8 =	simm.s32 $0x880;
	s7 =	sadd.s32 $0x200, s1  }
0x13: {  	[tilespmem:s8], [sflag:$0x1] =	stream.indirect_vreg.gather [hbm4b:s7+s4], $0x80, v0, vm0, $0xb8;
	[tilespmem:$0x4080] =	vst v63  }
0x14: {  	s19 =	simm.s32 $0x1080;
	s18 =	sadd.s32 $0x400, s1  }
0x15: {  	[tilespmem:s19], [sflag:$0x1] =	stream.indirect_vreg.gather [hbm4b:s18+s4], $0x80, v0, vm0, $0xb8;
	[tilespmem:$0x4080] =	vst v63  }
0x16: {  	s21 =	simm.s32 $0x1880;
	s20 =	sadd.s32 $0x600, s1  }
0x17: {  	[tilespmem:s21], [sflag:$0x1] =	stream.indirect_vreg.gather [hbm4b:s20+s4], $0x80, v0, vm0, $0xb8;
	[tilespmem:$0x4080] =	vst v63  }
0x18: {  	s23 =	simm.s32 $0x2080;
	s22 =	sadd.s32 $0x800, s1  }
0x19: {  	[tilespmem:s23], [sflag:$0x1] =	stream.indirect_vreg.gather [hbm4b:s22+s4], $0x80, v0, vm0, $0xb8;
	[tilespmem:$0x4080] =	vst v63  }
0x1a: {  	s25 =	simm.s32 $0x2880;
	s24 =	sadd.s32 $0xA00, s1  }
0x1b: {  	[tilespmem:s25], [sflag:$0x1] =	stream.indirect_vreg.gather [hbm4b:s24+s4], $0x80, v0, vm0, $0xb8;
	[tilespmem:$0x4080] =	vst v63  }
0x1c: {  	s28 =	simm.s32 $0x3080;
	s26 =	sadd.s32 $0xC00, s1  }
0x1d: {  	[tilespmem:s28], [sflag:$0x1] =	stream.indirect_vreg.gather [hbm4b:s26+s4], $0x80, v0, vm0, $0xb8;
	[tilespmem:$0x4080] =	vst v63  }
0x1e: {  	s29 =	simm.s32 $0x3880;
	s30 =	simm.s32 $0x1;
	s1 =	sadd.s32 $0xE00, s1  }
0x1f: {  	[tilespmem:s29], [sflag:$0x1] =	stream.indirect_vreg.gather [hbm4b:s1+s4], $0x80, v0, vm0, $0xb8;
	[tilespmem:$0x4080] =	vst v63  }
0x20: {  	s31 =	sshll.u32 s3, $0xB;
	_ =	swait.ge [sflag:s30], $0x4000  }
0x21: {  	s2 =	sadd.s32 s31, s2;
	[sflag:s30] =	ssyncset.done $0x0  }
0x22: {  	s2 =	sadd.s32 $0xE00, s2;
	[sflag:s30] =	ssyncadd.s32 $0xFFFFC000  }
0x23: {  	[hbm4b:s2+s4] =	stream.linear.scatter [tilespmem:s6], [sflag:$0x2], $0x4000, $0x38;
	[tilespmem:$0x4080] =	vst v63  }
0x24: {  	_ =	swait.ge [sflag:s17], $0x4000  }
0x25: {  	[sflag:s17] =	ssyncset.done $0x0  }
0x26: {  	[sflag:s17] =	ssyncadd.s32 $0xFFFFC000  }
0x27: {  	_ =	sfence.sel $0x180000  }
0x28: {  	[bflag:$0x0] =	sbarrier.arrive $0xFFFF  }
0x29: {  	p0 =	sne.s32 s3, $0x0;
	_ =	strace $0x90000047  }
0x2a: {  	s0 =	sadd.s32 @!p0 $0x100000, s0;
	[bflag:$0x2] =	sbarrier.arrive $0xFFFF  }
0x2b: {  	[sflag:s0] =	ssyncadd.tile.s32 @!p0 $0x1;
	_ =	shalt  }
.Lfunc_end2:
_tile_overlayer_lowered:
.L_overlay_start_2:
0x2c: {  	(tag) =	ssettag $0x2  }
0x2d: {  	s0 =	rddreg [dreg:$0x0];
	s2 =	stileid.u32  }
0x2e: {  	s1 =	rddreg [dreg:$0x1];
	p0 =	sne.s32 s2, $0x0  }
0x2f: {  	s3 =	rddreg [dreg:$0x2];
	[bflag:$0x3] =	sbarrier.arrive $0xFFFF;
	s2 =	simm.s32 @!p0 $0x1C02  }
0x30: {  	[timem:s3], [sflag:s2] =	dma.local @!p0 [hbm:s0], s1  }
0x31: {  	s0 =	simm.s32 @!p0 $0x2  }
0x32: {  	_ =	swait.ge @!p0 [sflag:s0], s1  }
0x33: {  	s1 =	ssub.s32 @!p0 $0x0, s1;
	[sflag:s0] =	ssyncset.done @!p0 $0x0  }
0x34: {  	[sflag:s0] =	ssyncadd.s32 @!p0 s1  }
0x35: {  	[bflag:$0x3] =	sbarrier.arrive $0xFFFF  }
0x36: {  	_ =	shalt  }

</sc_bundles>
